<compile_context>
chip_gen: v7x
topology: tpu7x:2x2x1
jax: 0.10.2.dev20260603
libtpu: 0.0.44.dev20260713+nightly
codegen_flags: <defaults>
</compile_context>

<pallas_src>
import functools

import jax
import jax.numpy as jnp
from jax import lax
from jax.experimental import pallas as pl
from jax.experimental.pallas import tpu as pltpu
from jax.experimental.pallas import tpu_sc as plsc

B = 16384
K = 16
NC = 2
NS = 16
NW = NC * NS
BPW = B // NW
L = 16
NG = BPW // L


def _body(uid_hbm, iid_hbm, ut_hbm, it_hbm, out_hbm,
          uids_v, iids_v, uslab, islab, outv, sem):
    wid = lax.axis_index("s") * NC + lax.axis_index("c")
    base = wid * BPW

    pltpu.sync_copy(uid_hbm.at[pl.ds(base, BPW)], uids_v)
    pltpu.sync_copy(iid_hbm.at[pl.ds(base, BPW)], iids_v)

    lane = lax.iota(jnp.int32, L)

    def group(g, carry):
        uvec = uids_v[pl.ds(g * L, L)]
        ivec = iids_v[pl.ds(g * L, L)]
        for s in range(L):
            ub = uvec[s]
            ib = ivec[s]
            uoff = pl.multiple_of((ub >> 7) * 128, 128)
            ioff = pl.multiple_of((ib >> 7) * 128, 128)
            pltpu.async_copy(ut_hbm.at[:, pl.ds(uoff, 128)], uslab.at[s], sem)
            pltpu.async_copy(it_hbm.at[:, pl.ds(ioff, 128)], islab.at[s], sem)
        pltpu.make_async_copy(ut_hbm.at[:, pl.ds(0, L * 128)], uslab, sem).wait()
        pltpu.make_async_copy(it_hbm.at[:, pl.ds(0, L * 128)], islab, sem).wait()

        ul = uids_v[pl.ds(g * L, L)] & 127
        il = iids_v[pl.ds(g * L, L)] & 127
        acc = jnp.zeros((L,), jnp.float32)
        for kk in range(K):
            kv = (lane + kk) & (K - 1)
            u = plsc.load_gather(uslab, [lane, kv, ul])
            v = plsc.load_gather(islab, [lane, kv, il])
            acc = acc + u * v
        outv[pl.ds(g * L, L)] = acc
        return carry

    lax.fori_loop(0, NG, group, 0)

    pltpu.sync_copy(outv, out_hbm.at[pl.ds(base, BPW)])


@jax.jit
def kernel(user_ids, item_ids, user_table, item_table):
    mesh = plsc.VectorSubcoreMesh(core_axis_name="c", subcore_axis_name="s")
    f = functools.partial(
        pl.kernel,
        mesh=mesh,
        compiler_params=pltpu.CompilerParams(needs_layout_passes=False),
        out_type=jax.ShapeDtypeStruct((B,), jnp.float32),
        scratch_types=[
            pltpu.VMEM((BPW,), jnp.int32),
            pltpu.VMEM((BPW,), jnp.int32),
            pltpu.VMEM((L, K, 128), jnp.float32),
            pltpu.VMEM((L, K, 128), jnp.float32),
            pltpu.VMEM((BPW,), jnp.float32),
            pltpu.SemaphoreType.DMA,
        ],
    )(_body)
    return f(user_ids.astype(jnp.int32), item_ids.astype(jnp.int32),
             user_table.T, item_table.T)

# --- scband reference (transcript-rebuilt; emitter-appended) ---
"""Pipeline reference for scband-deep-cf-6227702579597 (READ-ONLY COPY).

The authoritative reference and input builder live on the scoring server;
editing this copy changes nothing except your own understanding.
"""

import jax, jax.numpy as jnp
import numpy as np

N_USERS = 1000000
N_ITEMS = 1000000
K = 16
BATCH = 16384

def setup_inputs(seed: int = 0) -> dict:
    key = jax.random.key(seed)
    k1, k2, k3, k4 = jax.random.split(key, 4)
    user_ids = jax.random.randint(k1, (BATCH,), 0, N_USERS, dtype=jnp.int64 if jax.config.jax_enable_x64 else jnp.int32)
    item_ids = jax.random.randint(k2, (BATCH,), 0, N_ITEMS, dtype=jnp.int64 if jax.config.jax_enable_x64 else jnp.int32)
    user_table = jax.random.normal(k3, (N_USERS, K), dtype=jnp.float32) * 0.05
    item_table = jax.random.normal(k4, (N_ITEMS, K), dtype=jnp.float32) * 0.05
    return {"user_ids": user_ids, "item_ids": item_ids, "user_table": user_table, "item_table": item_table}

def reference(user_ids, item_ids, user_table, item_table):
    # pu branch: Embedding(n_users, K) on input_length=1 ids, then Reshape to [B, K]
    pu = jnp.take(user_table, user_ids, axis=0)  # [B, K]
    # qi branch: Embedding(n_items, K), Reshape to [B, K]
    qi = jnp.take(item_table, item_ids, axis=0)  # [B, K]
    # Merge mode='dot' over the latent axis -> [B]
    out = jnp.sum(pu * qi, axis=1)
    return out

if __name__ == "__main__":
    import jax
    _d = setup_inputs()
    print(jax.jit(kernel)(*tuple(_d.values())))

</pallas_src>

<mosaic_0001>
#map = affine_map<(d0, d1) -> (0)>
#map1 = affine_map<(d0, d1) -> (0, 0)>
module attributes {stable_mosaic.version = 14 : i64} {
  func.func @_body(%arg0: i32, %arg1: i32, %arg2: memref<16384xi32, #tpu.memory_space<hbm>>, %arg3: memref<16384xi32, #tpu.memory_space<hbm>>, %arg4: memref<16x1000000xf32, #tpu.memory_space<hbm>>, %arg5: memref<16x1000000xf32, #tpu.memory_space<hbm>>, %arg6: memref<16384xf32, #tpu.memory_space<hbm>>, %arg7: memref<512xi32, #tpu.memory_space<vmem>>, %arg8: memref<512xi32, #tpu.memory_space<vmem>>, %arg9: memref<16x16x128xf32, #tpu.memory_space<vmem>>, %arg10: memref<16x16x128xf32, #tpu.memory_space<vmem>>, %arg11: memref<512xf32, #tpu.memory_space<vmem>>, %arg12: memref<!tpu.dma_semaphore, #tpu.memory_space<semaphore_mem>>) attributes {dimension_semantics = [#tpu.dimension_semantics<core_parallel>, #tpu.dimension_semantics<subcore_parallel>], iteration_bounds = array<i64: 2, 16>, scalar_prefetch = 0 : i64, scratch_operands = 6 : i64, tpu.core_type = #tpu.core_type<sc_vector_subcore>, window_params = [{transform_indices = #map}, {transform_indices = #map}, {transform_indices = #map1}, {transform_indices = #map1}, {transform_indices = #map}]} {
    %mul3A = arith.constant 2 : i32
    %mul3A_0 = arith.muli %arg1, %mul3A : i32
    %add3A = arith.addi %mul3A_0, %arg0 : i32
    %mul3A_1 = arith.constant 512 : i32
    %mul3A_2 = arith.muli %add3A, %mul3A_1 : i32
    "tpu.region"() ({
      %run_scoped3A = tpu.sem_alloc : memref<!tpu.dma_semaphore, #tpu.memory_space<semaphore_mem>>
      %dma_start3A = tpu.memref_slice %arg2[%mul3A_2] : memref<16384xi32, #tpu.memory_space<hbm>> -> memref<512xi32, #tpu.memory_space<hbm>>
      %dma_start3A_8 = tpu.memref_slice %arg2[%mul3A_2] : memref<16384xi32, #tpu.memory_space<hbm>> -> memref<512xi32, #tpu.memory_space<hbm>>
      tpu.enqueue_dma source(%dma_start3A_8 : memref<512xi32, #tpu.memory_space<hbm>>) target(%arg7 : memref<512xi32, #tpu.memory_space<vmem>>) target_semaphore(%run_scoped3A : memref<!tpu.dma_semaphore, #tpu.memory_space<semaphore_mem>>)
      %dma_wait3A = tpu.memref_slice %arg2[%mul3A_2] : memref<16384xi32, #tpu.memory_space<hbm>> -> memref<512xi32, #tpu.memory_space<hbm>>
      %dma_wait3A_9 = tpu.memref_slice %arg2[%mul3A_2] : memref<16384xi32, #tpu.memory_space<hbm>> -> memref<512xi32, #tpu.memory_space<hbm>>
      tpu.wait_dma2 semaphore(%run_scoped3A : memref<!tpu.dma_semaphore, #tpu.memory_space<semaphore_mem>>) src(%dma_wait3A_9 : memref<512xi32, #tpu.memory_space<hbm>>) dst(%arg7 : memref<512xi32, #tpu.memory_space<vmem>>)
      tpu.yield
    }) : () -> ()
    "tpu.region"() ({
      %run_scoped3A = tpu.sem_alloc : memref<!tpu.dma_semaphore, #tpu.memory_space<semaphore_mem>>
      %dma_start3A = tpu.memref_slice %arg3[%mul3A_2] : memref<16384xi32, #tpu.memory_space<hbm>> -> memref<512xi32, #tpu.memory_space<hbm>>
      %dma_start3A_8 = tpu.memref_slice %arg3[%mul3A_2] : memref<16384xi32, #tpu.memory_space<hbm>> -> memref<512xi32, #tpu.memory_space<hbm>>
      tpu.enqueue_dma source(%dma_start3A_8 : memref<512xi32, #tpu.memory_space<hbm>>) target(%arg8 : memref<512xi32, #tpu.memory_space<vmem>>) target_semaphore(%run_scoped3A : memref<!tpu.dma_semaphore, #tpu.memory_space<semaphore_mem>>)
      %dma_wait3A = tpu.memref_slice %arg3[%mul3A_2] : memref<16384xi32, #tpu.memory_space<hbm>> -> memref<512xi32, #tpu.memory_space<hbm>>
      %dma_wait3A_9 = tpu.memref_slice %arg3[%mul3A_2] : memref<16384xi32, #tpu.memory_space<hbm>> -> memref<512xi32, #tpu.memory_space<hbm>>
      tpu.wait_dma2 semaphore(%run_scoped3A : memref<!tpu.dma_semaphore, #tpu.memory_space<semaphore_mem>>) src(%dma_wait3A_9 : memref<512xi32, #tpu.memory_space<hbm>>) dst(%arg8 : memref<512xi32, #tpu.memory_space<vmem>>)
      tpu.yield
    }) : () -> ()
    %iota3A = tpu.iota {dimensions = array<i32: 0>} : vector<16xi32>
    %scan3A = arith.constant 0 : i32
    %scan3A_3 = arith.constant 0 : i32
    %scan3A_4 = arith.constant 32 : i32
    %scan3A_5 = arith.addi %scan3A_3, %scan3A_4 : i32
    %scan3A_6 = arith.constant 1 : i32
    scf.for %scan3A_8 = %scan3A_3 to %scan3A_5 step %scan3A_6  : i32 {
      %mul3A_9 = arith.constant 16 : i32
      %mul3A_10 = arith.muli %scan3A_8, %mul3A_9 : i32
      %get3A = arith.index_cast %mul3A_10 : i32 to index
      %get3A_11 = tpu.vector_load %arg7[%get3A] {strides = array<i32>} : memref<512xi32, #tpu.memory_space<vmem>>, vector<16xi32>,
      %mul3A_12 = arith.constant 16 : i32
      %mul3A_13 = arith.muli %scan3A_8, %mul3A_12 : i32
      %get3A_14 = arith.index_cast %mul3A_13 : i32 to index
      %get3A_15 = tpu.vector_load %arg8[%get3A_14] {strides = array<i32>} : memref<512xi32, #tpu.memory_space<vmem>>, vector<16xi32>,
      %slice3A = vector.extract_strided_slice %get3A_11 {offsets = [0], sizes = [1], strides = [1]} : vector<16xi32> to vector<1xi32>
      %squeeze3A = vector.extract %slice3A[0] : i32 from vector<1xi32>
      %slice3A_16 = vector.extract_strided_slice %get3A_15 {offsets = [0], sizes = [1], strides = [1]} : vector<16xi32> to vector<1xi32>
      %squeeze3A_17 = vector.extract %slice3A_16[0] : i32 from vector<1xi32>
      %shift_right_arithmetic3A = arith.constant 7 : i32
      %shift_right_arithmetic3A_18 = arith.shrsi %squeeze3A, %shift_right_arithmetic3A : i32
      %mul3A_19 = arith.constant 128 : i32
      %mul3A_20 = arith.muli %shift_right_arithmetic3A_18, %mul3A_19 : i32
      %multiple_of3A = tpu.assume_multiple %mul3A_20, 128 : i32
      %shift_right_arithmetic3A_21 = arith.constant 7 : i32
      %shift_right_arithmetic3A_22 = arith.shrsi %squeeze3A_17, %shift_right_arithmetic3A_21 : i32
      %mul3A_23 = arith.constant 128 : i32
      %mul3A_24 = arith.muli %shift_right_arithmetic3A_22, %mul3A_23 : i32
      %multiple_of3A_25 = tpu.assume_multiple %mul3A_24, 128 : i32
      %dma_start3A = arith.constant 0 : i32
      %dma_start3A_26 = arith.constant 0 : i32
      %dma_start3A_27 = arith.constant 0 : i32
      %dma_start3A_28 = tpu.memref_slice %arg9[%dma_start3A, %dma_start3A_26, %dma_start3A_27] : memref<16x16x128xf32, #tpu.memory_space<vmem>> -> memref<1x16x128xf32, #tpu.memory_space<vmem>>
      %dma_start3A_29 = tpu.memref_squeeze %dma_start3A_28 : memref<1x16x128xf32, #tpu.memory_space<vmem>> -> memref<16x128xf32, #tpu.memory_space<vmem>>
      %dma_start3A_30 = arith.constant 0 : i32
      %dma_start3A_31 = tpu.memref_slice %arg4[%dma_start3A_30, %multiple_of3A] : memref<16x1000000xf32, #tpu.memory_space<hbm>> -> memref<16x128xf32, #tpu.memory_space<hbm>>
      %dma_start3A_32 = arith.constant 0 : i32
      %dma_start3A_33 = arith.constant 0 : i32
      %dma_start3A_34 = tpu.memref_slice %arg9[%dma_start3A, %dma_start3A_32, %dma_start3A_33] : memref<16x16x128xf32, #tpu.memory_space<vmem>> -> memref<1x16x128xf32, #tpu.memory_space<vmem>>
      %dma_start3A_35 = tpu.memref_squeeze %dma_start3A_34 : memref<1x16x128xf32, #tpu.memory_space<vmem>> -> memref<16x128xf32, #tpu.memory_space<vmem>>
      %dma_start3A_36 = arith.constant 0 : i32
      %dma_start3A_37 = tpu.memref_slice %arg4[%dma_start3A_36, %multiple_of3A] : memref<16x1000000xf32, #tpu.memory_space<hbm>> -> memref<16x128xf32, #tpu.memory_space<hbm>>
      tpu.enqueue_dma source(%dma_start3A_37 : memref<16x128xf32, #tpu.memory_space<hbm>>) target(%dma_start3A_35 : memref<16x128xf32, #tpu.memory_space<vmem>>) target_semaphore(%arg12 : memref<!tpu.dma_semaphore, #tpu.memory_space<semaphore_mem>>)
      %dma_start3A_38 = arith.constant 0 : i32
      %dma_start3A_39 = arith.constant 0 : i32
      %dma_start3A_40 = arith.constant 0 : i32
      %dma_start3A_41 = tpu.memref_slice %arg10[%dma_start3A_38, %dma_start3A_39, %dma_start3A_40] : memref<16x16x128xf32, #tpu.memory_space<vmem>> -> memref<1x16x128xf32, #tpu.memory_space<vmem>>
      %dma_start3A_42 = tpu.memref_squeeze %dma_start3A_41 : memref<1x16x128xf32, #tpu.memory_space<vmem>> -> memref<16x128xf32, #tpu.memory_space<vmem>>
      %dma_start3A_43 = arith.constant 0 : i32
      %dma_start3A_44 = tpu.memref_slice %arg5[%dma_start3A_43, %multiple_of3A_25] : memref<16x1000000xf32, #tpu.memory_space<hbm>> -> memref<16x128xf32, #tpu.memory_space<hbm>>
      %dma_start3A_45 = arith.constant 0 : i32
      %dma_start3A_46 = arith.constant 0 : i32
      %dma_start3A_47 = tpu.memref_slice %arg10[%dma_start3A_38, %dma_start3A_45, %dma_start3A_46] : memref<16x16x128xf32, #tpu.memory_space<vmem>> -> memref<1x16x128xf32, #tpu.memory_space<vmem>>
      %dma_start3A_48 = tpu.memref_squeeze %dma_start3A_47 : memref<1x16x128xf32, #tpu.memory_space<vmem>> -> memref<16x128xf32, #tpu.memory_space<vmem>>
      %dma_start3A_49 = arith.constant 0 : i32
      %dma_start3A_50 = tpu.memref_slice %arg5[%dma_start3A_49, %multiple_of3A_25] : memref<16x1000000xf32, #tpu.memory_space<hbm>> -> memref<16x128xf32, #tpu.memory_space<hbm>>
      tpu.enqueue_dma source(%dma_start3A_50 : memref<16x128xf32, #tpu.memory_space<hbm>>) target(%dma_start3A_48 : memref<16x128xf32, #tpu.memory_space<vmem>>) target_semaphore(%arg12 : memref<!tpu.dma_semaphore, #tpu.memory_space<semaphore_mem>>)
      %slice3A_51 = vector.extract_strided_slice %get3A_11 {offsets = [1], sizes = [1], strides = [1]} : vector<16xi32> to vector<1xi32>
      %squeeze3A_52 = vector.extract %slice3A_51[0] : i32 from vector<1xi32>
      %slice3A_53 = vector.extract_strided_slice %get3A_15 {offsets = [1], sizes = [1], strides = [1]} : vector<16xi32> to vector<1xi32>
      %squeeze3A_54 = vector.extract %slice3A_53[0] : i32 from vector<1xi32>
      %shift_right_arithmetic3A_55 = arith.constant 7 : i32
      %shift_right_arithmetic3A_56 = arith.shrsi %squeeze3A_52, %shift_right_arithmetic3A_55 : i32
      %mul3A_57 = arith.constant 128 : i32
      %mul3A_58 = arith.muli %shift_right_arithmetic3A_56, %mul3A_57 : i32
      %multiple_of3A_59 = tpu.assume_multiple %mul3A_58, 128 : i32
      %shift_right_arithmetic3A_60 = arith.constant 7 : i32
      %shift_right_arithmetic3A_61 = arith.shrsi %squeeze3A_54, %shift_right_arithmetic3A_60 : i32
      %mul3A_62 = arith.constant 128 : i32
      %mul3A_63 = arith.muli %shift_right_arithmetic3A_61, %mul3A_62 : i32
      %multiple_of3A_64 = tpu.assume_multiple %mul3A_63, 128 : i32
      %dma_start3A_65 = arith.constant 1 : i32
      %dma_start3A_66 = arith.constant 0 : i32
      %dma_start3A_67 = arith.constant 0 : i32
      %dma_start3A_68 = tpu.memref_slice %arg9[%dma_start3A_65, %dma_start3A_66, %dma_start3A_67] : memref<16x16x128xf32, #tpu.memory_space<vmem>> -> memref<1x16x128xf32, #tpu.memory_space<vmem>>
      %dma_start3A_69 = tpu.memref_squeeze %dma_start3A_68 : memref<1x16x128xf32, #tpu.memory_space<vmem>> -> memref<16x128xf32, #tpu.memory_space<vmem>>
      %dma_start3A_70 = arith.constant 0 : i32
      %dma_start3A_71 = tpu.memref_slice %arg4[%dma_start3A_70, %multiple_of3A_59] : memref<16x1000000xf32, #tpu.memory_space<hbm>> -> memref<16x128xf32, #tpu.memory_space<hbm>>
      %dma_start3A_72 = arith.constant 0 : i32
      %dma_start3A_73 = arith.constant 0 : i32
      %dma_start3A_74 = tpu.memref_slice %arg9[%dma_start3A_65, %dma_start3A_72, %dma_start3A_73] : memref<16x16x128xf32, #tpu.memory_space<vmem>> -> memref<1x16x128xf32, #tpu.memory_space<vmem>>
      %dma_start3A_75 = tpu.memref_squeeze %dma_start3A_74 : memref<1x16x128xf32, #tpu.memory_space<vmem>> -> memref<16x128xf32, #tpu.memory_space<vmem>>
      %dma_start3A_76 = arith.constant 0 : i32
      %dma_start3A_77 = tpu.memref_slice %arg4[%dma_start3A_76, %multiple_of3A_59] : memref<16x1000000xf32, #tpu.memory_space<hbm>> -> memref<16x128xf32, #tpu.memory_space<hbm>>
      tpu.enqueue_dma source(%dma_start3A_77 : memref<16x128xf32, #tpu.memory_space<hbm>>) target(%dma_start3A_75 : memref<16x128xf32, #tpu.memory_space<vmem>>) target_semaphore(%arg12 : memref<!tpu.dma_semaphore, #tpu.memory_space<semaphore_mem>>)
      %dma_start3A_78 = arith.constant 1 : i32
      %dma_start3A_79 = arith.constant 0 : i32
      %dma_start3A_80 = arith.constant 0 : i32
      %dma_start3A_81 = tpu.memref_slice %arg10[%dma_start3A_78, %dma_start3A_79, %dma_start3A_80] : memref<16x16x128xf32, #tpu.memory_space<vmem>> -> memref<1x16x128xf32, #tpu.memory_space<vmem>>
      %dma_start3A_82 = tpu.memref_squeeze %dma_start3A_81 : memref<1x16x128xf32, #tpu.memory_space<vmem>> -> memref<16x128xf32, #tpu.memory_space<vmem>>
      %dma_start3A_83 = arith.constant 0 : i32
      %dma_start3A_84 = tpu.memref_slice %arg5[%dma_start3A_83, %multiple_of3A_64] : memref<16x1000000xf32, #tpu.memory_space<hbm>> -> memref<16x128xf32, #tpu.memory_space<hbm>>
      %dma_start3A_85 = arith.constant 0 : i32
      %dma_start3A_86 = arith.constant 0 : i32
      %dma_start3A_87 = tpu.memref_slice %arg10[%dma_start3A_78, %dma_start3A_85, %dma_start3A_86] : memref<16x16x128xf32, #tpu.memory_space<vmem>> -> memref<1x16x128xf32, #tpu.memory_space<vmem>>
      %dma_start3A_88 = tpu.memref_squeeze %dma_start3A_87 : memref<1x16x128xf32, #tpu.memory_space<vmem>> -> memref<16x128xf32, #tpu.memory_space<vmem>>
      %dma_start3A_89 = arith.constant 0 : i32
      %dma_start3A_90 = tpu.memref_slice %arg5[%dma_start3A_89, %multiple_of3A_64] : memref<16x1000000xf32, #tpu.memory_space<hbm>> -> memref<16x128xf32, #tpu.memory_space<hbm>>
      tpu.enqueue_dma source(%dma_start3A_90 : memref<16x128xf32, #tpu.memory_space<hbm>>) target(%dma_start3A_88 : memref<16x128xf32, #tpu.memory_space<vmem>>) target_semaphore(%arg12 : memref<!tpu.dma_semaphore, #tpu.memory_space<semaphore_mem>>)
      %slice3A_91 = vector.extract_strided_slice %get3A_11 {offsets = [2], sizes = [1], strides = [1]} : vector<16xi32> to vector<1xi32>
      %squeeze3A_92 = vector.extract %slice3A_91[0] : i32 from vector<1xi32>
      %slice3A_93 = vector.extract_strided_slice %get3A_15 {offsets = [2], sizes = [1], strides = [1]} : vector<16xi32> to vector<1xi32>
      %squeeze3A_94 = vector.extract %slice3A_93[0] : i32 from vector<1xi32>
      %shift_right_arithmetic3A_95 = arith.constant 7 : i32
      %shift_right_arithmetic3A_96 = arith.shrsi %squeeze3A_92, %shift_right_arithmetic3A_95 : i32
      %mul3A_97 = arith.constant 128 : i32
      %mul3A_98 = arith.muli %shift_right_arithmetic3A_96, %mul3A_97 : i32
      %multiple_of3A_99 = tpu.assume_multiple %mul3A_98, 128 : i32
      %shift_right_arithmetic3A_100 = arith.constant 7 : i32
      %shift_right_arithmetic3A_101 = arith.shrsi %squeeze3A_94, %shift_right_arithmetic3A_100 : i32
      %mul3A_102 = arith.constant 128 : i32
      %mul3A_103 = arith.muli %shift_right_arithmetic3A_101, %mul3A_102 : i32
      %multiple_of3A_104 = tpu.assume_multiple %mul3A_103, 128 : i32
      %dma_start3A_105 = arith.constant 2 : i32
      %dma_start3A_106 = arith.constant 0 : i32
      %dma_start3A_107 = arith.constant 0 : i32
      %dma_start3A_108 = tpu.memref_slice %arg9[%dma_start3A_105, %dma_start3A_106, %dma_start3A_107] : memref<16x16x128xf32, #tpu.memory_space<vmem>> -> memref<1x16x128xf32, #tpu.memory_space<vmem>>
      %dma_start3A_109 = tpu.memref_squeeze %dma_start3A_108 : memref<1x16x128xf32, #tpu.memory_space<vmem>> -> memref<16x128xf32, #tpu.memory_space<vmem>>
      %dma_start3A_110 = arith.constant 0 : i32
      %dma_start3A_111 = tpu.memref_slice %arg4[%dma_start3A_110, %multiple_of3A_99] : memref<16x1000000xf32, #tpu.memory_space<hbm>> -> memref<16x128xf32, #tpu.memory_space<hbm>>
      %dma_start3A_112 = arith.constant 0 : i32
      %dma_start3A_113 = arith.constant 0 : i32
      %dma_start3A_114 = tpu.memref_slice %arg9[%dma_start3A_105, %dma_start3A_112, %dma_start3A_113] : memref<16x16x128xf32, #tpu.memory_space<vmem>> -> memref<1x16x128xf32, #tpu.memory_space<vmem>>
      %dma_start3A_115 = tpu.memref_squeeze %dma_start3A_114 : memref<1x16x128xf32, #tpu.memory_space<vmem>> -> memref<16x128xf32, #tpu.memory_space<vmem>>
      %dma_start3A_116 = arith.constant 0 : i32
      %dma_start3A_117 = tpu.memref_slice %arg4[%dma_start3A_116, %multiple_of3A_99] : memref<16x1000000xf32, #tpu.memory_space<hbm>> -> memref<16x128xf32, #tpu.memory_space<hbm>>
      tpu.enqueue_dma source(%dma_start3A_117 : memref<16x128xf32, #tpu.memory_space<hbm>>) target(%dma_start3A_115 : memref<16x128xf32, #tpu.memory_space<vmem>>) target_semaphore(%arg12 : memref<!tpu.dma_semaphore, #tpu.memory_space<semaphore_mem>>)
      %dma_start3A_118 = arith.constant 2 : i32
      %dma_start3A_119 = arith.constant 0 : i32
      %dma_start3A_120 = arith.constant 0 : i32
      %dma_start3A_121 = tpu.memref_slice %arg10[%dma_start3A_118, %dma_start3A_119, %dma_start3A_120] : memref<16x16x128xf32, #tpu.memory_space<vmem>> -> memref<1x16x128xf32, #tpu.memory_space<vmem>>
      %dma_start3A_122 = tpu.memref_squeeze %dma_start3A_121 : memref<1x16x128xf32, #tpu.memory_space<vmem>> -> memref<16x128xf32, #tpu.memory_space<vmem>>
      %dma_start3A_123 = arith.constant 0 : i32
      %dma_start3A_124 = tpu.memref_slice %arg5[%dma_start3A_123, %multiple_of3A_104] : memref<16x1000000xf32, #tpu.memory_space<hbm>> -> memref<16x128xf32, #tpu.memory_space<hbm>>
      %dma_start3A_125 = arith.constant 0 : i32
      %dma_start3A_126 = arith.constant 0 : i32
      %dma_start3A_127 = tpu.memref_slice %arg10[%dma_start3A_118, %dma_start3A_125, %dma_start3A_126] : memref<16x16x128xf32, #tpu.memory_space<vmem>> -> memref<1x16x128xf32, #tpu.memory_space<vmem>>
      %dma_start3A_128 = tpu.memref_squeeze %dma_start3A_127 : memref<1x16x128xf32, #tpu.memory_space<vmem>> -> memref<16x128xf32, #tpu.memory_space<vmem>>
      %dma_start3A_129 = arith.constant 0 : i32
      %dma_start3A_130 = tpu.memref_slice %arg5[%dma_start3A_129, %multiple_of3A_104] : memref<16x1000000xf32, #tpu.memory_space<hbm>> -> memref<16x128xf32, #tpu.memory_space<hbm>>
      tpu.enqueue_dma source(%dma_start3A_130 : memref<16x128xf32, #tpu.memory_space<hbm>>) target(%dma_start3A_128 : memref<16x128xf32, #tpu.memory_space<vmem>>) target_semaphore(%arg12 : memref<!tpu.dma_semaphore, #tpu.memory_space<semaphore_mem>>)
      %slice3A_131 = vector.extract_strided_slice %get3A_11 {offsets = [3], sizes = [1], strides = [1]} : vector<16xi32> to vector<1xi32>
      %squeeze3A_132 = vector.extract %slice3A_131[0] : i32 from vector<1xi32>
      %slice3A_133 = vector.extract_strided_slice %get3A_15 {offsets = [3], sizes = [1], strides = [1]} : vector<16xi32> to vector<1xi32>
      %squeeze3A_134 = vector.extract %slice3A_133[0] : i32 from vector<1xi32>
      %shift_right_arithmetic3A_135 = arith.constant 7 : i32
      %shift_right_arithmetic3A_136 = arith.shrsi %squeeze3A_132, %shift_right_arithmetic3A_135 : i32
      %mul3A_137 = arith.constant 128 : i32
      %mul3A_138 = arith.muli %shift_right_arithmetic3A_136, %mul3A_137 : i32
      %multiple_of3A_139 = tpu.assume_multiple %mul3A_138, 128 : i32
      %shift_right_arithmetic3A_140 = arith.constant 7 : i32
      %shift_right_arithmetic3A_141 = arith.shrsi %squeeze3A_134, %shift_right_arithmetic3A_140 : i32
      %mul3A_142 = arith.constant 128 : i32
      %mul3A_143 = arith.muli %shift_right_arithmetic3A_141, %mul3A_142 : i32
      %multiple_of3A_144 = tpu.assume_multiple %mul3A_143, 128 : i32
      %dma_start3A_145 = arith.constant 3 : i32
      %dma_start3A_146 = arith.constant 0 : i32
      %dma_start3A_147 = arith.constant 0 : i32
      %dma_start3A_148 = tpu.memref_slice %arg9[%dma_start3A_145, %dma_start3A_146, %dma_start3A_147] : memref<16x16x128xf32, #tpu.memory_space<vmem>> -> memref<1x16x128xf32, #tpu.memory_space<vmem>>
      %dma_start3A_149 = tpu.memref_squeeze %dma_start3A_148 : memref<1x16x128xf32, #tpu.memory_space<vmem>> -> memref<16x128xf32, #tpu.memory_space<vmem>>
      %dma_start3A_150 = arith.constant 0 : i32
      %dma_start3A_151 = tpu.memref_slice %arg4[%dma_start3A_150, %multiple_of3A_139] : memref<16x1000000xf32, #tpu.memory_space<hbm>> -> memref<16x128xf32, #tpu.memory_space<hbm>>
      %dma_start3A_152 = arith.constant 0 : i32
      %dma_start3A_153 = arith.constant 0 : i32
      %dma_start3A_154 = tpu.memref_slice %arg9[%dma_start3A_145, %dma_start3A_152, %dma_start3A_153] : memref<16x16x128xf32, #tpu.memory_space<vmem>> -> memref<1x16x128xf32, #tpu.memory_space<vmem>>
      %dma_start3A_155 = tpu.memref_squeeze %dma_start3A_154 : memref<1x16x128xf32, #tpu.memory_space<vmem>> -> memref<16x128xf32, #tpu.memory_space<vmem>>
      %dma_start3A_156 = arith.constant 0 : i32
      %dma_start3A_157 = tpu.memref_slice %arg4[%dma_start3A_156, %multiple_of3A_139] : memref<16x1000000xf32, #tpu.memory_space<hbm>> -> memref<16x128xf32, #tpu.memory_space<hbm>>
      tpu.enqueue_dma source(%dma_start3A_157 : memref<16x128xf32, #tpu.memory_space<hbm>>) target(%dma_start3A_155 : memref<16x128xf32, #tpu.memory_space<vmem>>) target_semaphore(%arg12 : memref<!tpu.dma_semaphore, #tpu.memory_space<semaphore_mem>>)
      %dma_start3A_158 = arith.constant 3 : i32
      %dma_start3A_159 = arith.constant 0 : i32
      %dma_start3A_160 = arith.constant 0 : i32
      %dma_start3A_161 = tpu.memref_slice %arg10[%dma_start3A_158, %dma_start3A_159, %dma_start3A_160] : memref<16x16x128xf32, #tpu.memory_space<vmem>> -> memref<1x16x128xf32, #tpu.memory_space<vmem>>
      %dma_start3A_162 = tpu.memref_squeeze %dma_start3A_161 : memref<1x16x128xf32, #tpu.memory_space<vmem>> -> memref<16x128xf32, #tpu.memory_space<vmem>>
      %dma_start3A_163 = arith.constant 0 : i32
      %dma_start3A_164 = tpu.memref_slice %arg5[%dma_start3A_163, %multiple_of3A_144] : memref<16x1000000xf32, #tpu.memory_space<hbm>> -> memref<16x128xf32, #tpu.memory_space<hbm>>
      %dma_start3A_165 = arith.constant 0 : i32
      %dma_start3A_166 = arith.constant 0 : i32
      %dma_start3A_167 = tpu.memref_slice %arg10[%dma_start3A_158, %dma_start3A_165, %dma_start3A_166] : memref<16x16x128xf32, #tpu.memory_space<vmem>> -> memref<1x16x128xf32, #tpu.memory_space<vmem>>
      %dma_start3A_168 = tpu.memref_squeeze %dma_start3A_167 : memref<1x16x128xf32, #tpu.memory_space<vmem>> -> memref<16x128xf32, #tpu.memory_space<vmem>>
      %dma_start3A_169 = arith.constant 0 : i32
      %dma_start3A_170 = tpu.memref_slice %arg5[%dma_start3A_169, %multiple_of3A_144] : memref<16x1000000xf32, #tpu.memory_space<hbm>> -> memref<16x128xf32, #tpu.memory_space<hbm>>
      tpu.enqueue_dma source(%dma_start3A_170 : memref<16x128xf32, #tpu.memory_space<hbm>>) target(%dma_start3A_168 : memref<16x128xf32, #tpu.memory_space<vmem>>) target_semaphore(%arg12 : memref<!tpu.dma_semaphore, #tpu.memory_space<semaphore_mem>>)
      %slice3A_171 = vector.extract_strided_slice %get3A_11 {offsets = [4], sizes = [1], strides = [1]} : vector<16xi32> to vector<1xi32>
      %squeeze3A_172 = vector.extract %slice3A_171[0] : i32 from vector<1xi32>
      %slice3A_173 = vector.extract_strided_slice %get3A_15 {offsets = [4], sizes = [1], strides = [1]} : vector<16xi32> to vector<1xi32>
      %squeeze3A_174 = vector.extract %slice3A_173[0] : i32 from vector<1xi32>
      %shift_right_arithmetic3A_175 = arith.constant 7 : i32
      %shift_right_arithmetic3A_176 = arith.shrsi %squeeze3A_172, %shift_right_arithmetic3A_175 : i32
      %mul3A_177 = arith.constant 128 : i32
      %mul3A_178 = arith.muli %shift_right_arithmetic3A_176, %mul3A_177 : i32
      %multiple_of3A_179 = tpu.assume_multiple %mul3A_178, 128 : i32
      %shift_right_arithmetic3A_180 = arith.constant 7 : i32
      %shift_right_arithmetic3A_181 = arith.shrsi %squeeze3A_174, %shift_right_arithmetic3A_180 : i32
      %mul3A_182 = arith.constant 128 : i32
      %mul3A_183 = arith.muli %shift_right_arithmetic3A_181, %mul3A_182 : i32
      %multiple_of3A_184 = tpu.assume_multiple %mul3A_183, 128 : i32
      %dma_start3A_185 = arith.constant 4 : i32
      %dma_start3A_186 = arith.constant 0 : i32
      %dma_start3A_187 = arith.constant 0 : i32
      %dma_start3A_188 = tpu.memref_slice %arg9[%dma_start3A_185, %dma_start3A_186, %dma_start3A_187] : memref<16x16x128xf32, #tpu.memory_space<vmem>> -> memref<1x16x128xf32, #tpu.memory_space<vmem>>
      %dma_start3A_189 = tpu.memref_squeeze %dma_start3A_188 : memref<1x16x128xf32, #tpu.memory_space<vmem>> -> memref<16x128xf32, #tpu.memory_space<vmem>>
      %dma_start3A_190 = arith.constant 0 : i32
      %dma_start3A_191 = tpu.memref_slice %arg4[%dma_start3A_190, %multiple_of3A_179] : memref<16x1000000xf32, #tpu.memory_space<hbm>> -> memref<16x128xf32, #tpu.memory_space<hbm>>
      %dma_start3A_192 = arith.constant 0 : i32
      %dma_start3A_193 = arith.constant 0 : i32
      %dma_start3A_194 = tpu.memref_slice %arg9[%dma_start3A_185, %dma_start3A_192, %dma_start3A_193] : memref<16x16x128xf32, #tpu.memory_space<vmem>> -> memref<1x16x128xf32, #tpu.memory_space<vmem>>
      %dma_start3A_195 = tpu.memref_squeeze %dma_start3A_194 : memref<1x16x128xf32, #tpu.memory_space<vmem>> -> memref<16x128xf32, #tpu.memory_space<vmem>>
      %dma_start3A_196 = arith.constant 0 : i32
      %dma_start3A_197 = tpu.memref_slice %arg4[%dma_start3A_196, %multiple_of3A_179] : memref<16x1000000xf32, #tpu.memory_space<hbm>> -> memref<16x128xf32, #tpu.memory_space<hbm>>
      tpu.enqueue_dma source(%dma_start3A_197 : memref<16x128xf32, #tpu.memory_space<hbm>>) target(%dma_start3A_195 : memref<16x128xf32, #tpu.memory_space<vmem>>) target_semaphore(%arg12 : memref<!tpu.dma_semaphore, #tpu.memory_space<semaphore_mem>>)
      %dma_start3A_198 = arith.constant 4 : i32
      %dma_start3A_199 = arith.constant 0 : i32
      %dma_start3A_200 = arith.constant 0 : i32
      %dma_start3A_201 = tpu.memref_slice %arg10[%dma_start3A_198, %dma_start3A_199, %dma_start3A_200] : memref<16x16x128xf32, #tpu.memory_space<vmem>> -> memref<1x16x128xf32, #tpu.memory_space<vmem>>
      %dma_start3A_202 = tpu.memref_squeeze %dma_start3A_201 : memref<1x16x128xf32, #tpu.memory_space<vmem>> -> memref<16x128xf32, #tpu.memory_space<vmem>>
      %dma_start3A_203 = arith.constant 0 : i32
      %dma_start3A_204 = tpu.memref_slice %arg5[%dma_start3A_203, %multiple_of3A_184] : memref<16x1000000xf32, #tpu.memory_space<hbm>> -> memref<16x128xf32, #tpu.memory_space<hbm>>
      %dma_start3A_205 = arith.constant 0 : i32
      %dma_start3A_206 = arith.constant 0 : i32
      %dma_start3A_207 = tpu.memref_slice %arg10[%dma_start3A_198, %dma_start3A_205, %dma_start3A_206] : memref<16x16x128xf32, #tpu.memory_space<vmem>> -> memref<1x16x128xf32, #tpu.memory_space<vmem>>
      %dma_start3A_208 = tpu.memref_squeeze %dma_start3A_207 : memref<1x16x128xf32, #tpu.memory_space<vmem>> -> memref<16x128xf32, #tpu.memory_space<vmem>>
      %dma_start3A_209 = arith.constant 0 : i32
      %dma_start3A_210 = tpu.memref_slice %arg5[%dma_start3A_209, %multiple_of3A_184] : memref<16x1000000xf32, #tpu.memory_space<hbm>> -> memref<16x128xf32, #tpu.memory_space<hbm>>
      tpu.enqueue_dma source(%dma_start3A_210 : memref<16x128xf32, #tpu.memory_space<hbm>>) target(%dma_start3A_208 : memref<16x128xf32, #tpu.memory_space<vmem>>) target_semaphore(%arg12 : memref<!tpu.dma_semaphore, #tpu.memory_space<semaphore_mem>>)
      %slice3A_211 = vector.extract_strided_slice %get3A_11 {offsets = [5], sizes = [1], strides = [1]} : vector<16xi32> to vector<1xi32>
      %squeeze3A_212 = vector.extract %slice3A_211[0] : i32 from vector<1xi32>
      %slice3A_213 = vector.extract_strided_slice %get3A_15 {offsets = [5], sizes = [1], strides = [1]} : vector<16xi32> to vector<1xi32>
      %squeeze3A_214 = vector.extract %slice3A_213[0] : i32 from vector<1xi32>
      %shift_right_arithmetic3A_215 = arith.constant 7 : i32
      %shift_right_arithmetic3A_216 = arith.shrsi %squeeze3A_212, %shift_right_arithmetic3A_215 : i32
      %mul3A_217 = arith.constant 128 : i32
      %mul3A_218 = arith.muli %shift_right_arithmetic3A_216, %mul3A_217 : i32
      %multiple_of3A_219 = tpu.assume_multiple %mul3A_218, 128 : i32
      %shift_right_arithmetic3A_220 = arith.constant 7 : i32
      %shift_right_arithmetic3A_221 = arith.shrsi %squeeze3A_214, %shift_right_arithmetic3A_220 : i32
      %mul3A_222 = arith.constant 128 : i32
      %mul3A_223 = arith.muli %shift_right_arithmetic3A_221, %mul3A_222 : i32
      %multiple_of3A_224 = tpu.assume_multiple %mul3A_223, 128 : i32
      %dma_start3A_225 = arith.constant 5 : i32
      %dma_start3A_226 = arith.constant 0 : i32
      %dma_start3A_227 = arith.constant 0 : i32
      %dma_start3A_228 = tpu.memref_slice %arg9[%dma_start3A_225, %dma_start3A_226, %dma_start3A_227] : memref<16x16x128xf32, #tpu.memory_space<vmem>> -> memref<1x16x128xf32, #tpu.memory_space<vmem>>
      %dma_start3A_229 = tpu.memref_squeeze %dma_start3A_228 : memref<1x16x128xf32, #tpu.memory_space<vmem>> -> memref<16x128xf32, #tpu.memory_space<vmem>>
      %dma_start3A_230 = arith.constant 0 : i32
      %dma_start3A_231 = tpu.memref_slice %arg4[%dma_start3A_230, %multiple_of3A_219] : memref<16x1000000xf32, #tpu.memory_space<hbm>> -> memref<16x128xf32, #tpu.memory_space<hbm>>
      %dma_start3A_232 = arith.constant 0 : i32
      %dma_start3A_233 = arith.constant 0 : i32
      %dma_start3A_234 = tpu.memref_slice %arg9[%dma_start3A_225, %dma_start3A_232, %dma_start3A_233] : memref<16x16x128xf32, #tpu.memory_space<vmem>> -> memref<1x16x128xf32, #tpu.memory_space<vmem>>
      %dma_start3A_235 = tpu.memref_squeeze %dma_start3A_234 : memref<1x16x128xf32, #tpu.memory_space<vmem>> -> memref<16x128xf32, #tpu.memory_space<vmem>>
      %dma_start3A_236 = arith.constant 0 : i32
      %dma_start3A_237 = tpu.memref_slice %arg4[%dma_start3A_236, %multiple_of3A_219] : memref<16x1000000xf32, #tpu.memory_space<hbm>> -> memref<16x128xf32, #tpu.memory_space<hbm>>
      tpu.enqueue_dma source(%dma_start3A_237 : memref<16x128xf32, #tpu.memory_space<hbm>>) target(%dma_start3A_235 : memref<16x128xf32, #tpu.memory_space<vmem>>) target_semaphore(%arg12 : memref<!tpu.dma_semaphore, #tpu.memory_space<semaphore_mem>>)
      %dma_start3A_238 = arith.constant 5 : i32
      %dma_start3A_239 = arith.constant 0 : i32
      %dma_start3A_240 = arith.constant 0 : i32
      %dma_start3A_241 = tpu.memref_slice %arg10[%dma_start3A_238, %dma_start3A_239, %dma_start3A_240] : memref<16x16x128xf32, #tpu.memory_space<vmem>> -> memref<1x16x128xf32, #tpu.memory_space<vmem>>
      %dma_start3A_242 = tpu.memref_squeeze %dma_start3A_241 : memref<1x16x128xf32, #tpu.memory_space<vmem>> -> memref<16x128xf32, #tpu.memory_space<vmem>>
      %dma_start3A_243 = arith.constant 0 : i32
      %dma_start3A_244 = tpu.memref_slice %arg5[%dma_start3A_243, %multiple_of3A_224] : memref<16x1000000xf32, #tpu.memory_space<hbm>> -> memref<16x128xf32, #tpu.memory_space<hbm>>
      %dma_start3A_245 = arith.constant 0 : i32
      %dma_start3A_246 = arith.constant 0 : i32
      %dma_start3A_247 = tpu.memref_slice %arg10[%dma_start3A_238, %dma_start3A_245, %dma_start3A_246] : memref<16x16x128xf32, #tpu.memory_space<vmem>> -> memref<1x16x128xf32, #tpu.memory_space<vmem>>
      %dma_start3A_248 = tpu.memref_squeeze %dma_start3A_247 : memref<1x16x128xf32, #tpu.memory_space<vmem>> -> memref<16x128xf32, #tpu.memory_space<vmem>>
      %dma_start3A_249 = arith.constant 0 : i32
      %dma_start3A_250 = tpu.memref_slice %arg5[%dma_start3A_249, %multiple_of3A_224] : memref<16x1000000xf32, #tpu.memory_space<hbm>> -> memref<16x128xf32, #tpu.memory_space<hbm>>
      tpu.enqueue_dma source(%dma_start3A_250 : memref<16x128xf32, #tpu.memory_space<hbm>>) target(%dma_start3A_248 : memref<16x128xf32, #tpu.memory_space<vmem>>) target_semaphore(%arg12 : memref<!tpu.dma_semaphore, #tpu.memory_space<semaphore_mem>>)
      %slice3A_251 = vector.extract_strided_slice %get3A_11 {offsets = [6], sizes = [1], strides = [1]} : vector<16xi32> to vector<1xi32>
      %squeeze3A_252 = vector.extract %slice3A_251[0] : i32 from vector<1xi32>
      %slice3A_253 = vector.extract_strided_slice %get3A_15 {offsets = [6], sizes = [1], strides = [1]} : vector<16xi32> to vector<1xi32>
      %squeeze3A_254 = vector.extract %slice3A_253[0] : i32 from vector<1xi32>
      %shift_right_arithmetic3A_255 = arith.constant 7 : i32
      %shift_right_arithmetic3A_256 = arith.shrsi %squeeze3A_252, %shift_right_arithmetic3A_255 : i32
      %mul3A_257 = arith.constant 128 : i32
      %mul3A_258 = arith.muli %shift_right_arithmetic3A_256, %mul3A_257 : i32
      %multiple_of3A_259 = tpu.assume_multiple %mul3A_258, 128 : i32
      %shift_right_arithmetic3A_260 = arith.constant 7 : i32
      %shift_right_arithmetic3A_261 = arith.shrsi %squeeze3A_254, %shift_right_arithmetic3A_260 : i32
      %mul3A_262 = arith.constant 128 : i32
      %mul3A_263 = arith.muli %shift_right_arithmetic3A_261, %mul3A_262 : i32
      %multiple_of3A_264 = tpu.assume_multiple %mul3A_263, 128 : i32
      %dma_start3A_265 = arith.constant 6 : i32
      %dma_start3A_266 = arith.constant 0 : i32
      %dma_start3A_267 = arith.constant 0 : i32
      %dma_start3A_268 = tpu.memref_slice %arg9[%dma_start3A_265, %dma_start3A_266, %dma_start3A_267] : memref<16x16x128xf32, #tpu.memory_space<vmem>> -> memref<1x16x128xf32, #tpu.memory_space<vmem>>
      %dma_start3A_269 = tpu.memref_squeeze %dma_start3A_268 : memref<1x16x128xf32, #tpu.memory_space<vmem>> -> memref<16x128xf32, #tpu.memory_space<vmem>>
      %dma_start3A_270 = arith.constant 0 : i32
      %dma_start3A_271 = tpu.memref_slice %arg4[%dma_start3A_270, %multiple_of3A_259] : memref<16x1000000xf32, #tpu.memory_space<hbm>> -> memref<16x128xf32, #tpu.memory_space<hbm>>
      %dma_start3A_272 = arith.constant 0 : i32
      %dma_start3A_273 = arith.constant 0 : i32
      %dma_start3A_274 = tpu.memref_slice %arg9[%dma_start3A_265, %dma_start3A_272, %dma_start3A_273] : memref<16x16x128xf32, #tpu.memory_space<vmem>> -> memref<1x16x128xf32, #tpu.memory_space<vmem>>
      %dma_start3A_275 = tpu.memref_squeeze %dma_start3A_274 : memref<1x16x128xf32, #tpu.memory_space<vmem>> -> memref<16x128xf32, #tpu.memory_space<vmem>>
      %dma_start3A_276 = arith.constant 0 : i32
      %dma_start3A_277 = tpu.memref_slice %arg4[%dma_start3A_276, %multiple_of3A_259] : memref<16x1000000xf32, #tpu.memory_space<hbm>> -> memref<16x128xf32, #tpu.memory_space<hbm>>
      tpu.enqueue_dma source(%dma_start3A_277 : memref<16x128xf32, #tpu.memory_space<hbm>>) target(%dma_start3A_275 : memref<16x128xf32, #tpu.memory_space<vmem>>) target_semaphore(%arg12 : memref<!tpu.dma_semaphore, #tpu.memory_space<semaphore_mem>>)
      %dma_start3A_278 = arith.constant 6 : i32
      %dma_start3A_279 = arith.constant 0 : i32
      %dma_start3A_280 = arith.constant 0 : i32
      %dma_start3A_281 = tpu.memref_slice %arg10[%dma_start3A_278, %dma_start3A_279, %dma_start3A_280] : memref<16x16x128xf32, #tpu.memory_space<vmem>> -> memref<1x16x128xf32, #tpu.memory_space<vmem>>
      %dma_start3A_282 = tpu.memref_squeeze %dma_start3A_281 : memref<1x16x128xf32, #tpu.memory_space<vmem>> -> memref<16x128xf32, #tpu.memory_space<vmem>>
      %dma_start3A_283 = arith.constant 0 : i32
      %dma_start3A_284 = tpu.memref_slice %arg5[%dma_start3A_283, %multiple_of3A_264] : memref<16x1000000xf32, #tpu.memory_space<hbm>> -> memref<16x128xf32, #tpu.memory_space<hbm>>
      %dma_start3A_285 = arith.constant 0 : i32
      %dma_start3A_286 = arith.constant 0 : i32
      %dma_start3A_287 = tpu.memref_slice %arg10[%dma_start3A_278, %dma_start3A_285, %dma_start3A_286] : memref<16x16x128xf32, #tpu.memory_space<vmem>> -> memref<1x16x128xf32, #tpu.memory_space<vmem>>
      %dma_start3A_288 = tpu.memref_squeeze %dma_start3A_287 : memref<1x16x128xf32, #tpu.memory_space<vmem>> -> memref<16x128xf32, #tpu.memory_space<vmem>>
      %dma_start3A_289 = arith.constant 0 : i32
      %dma_start3A_290 = tpu.memref_slice %arg5[%dma_start3A_289, %multiple_of3A_264] : memref<16x1000000xf32, #tpu.memory_space<hbm>> -> memref<16x128xf32, #tpu.memory_space<hbm>>
      tpu.enqueue_dma source(%dma_start3A_290 : memref<16x128xf32, #tpu.memory_space<hbm>>) target(%dma_start3A_288 : memref<16x128xf32, #tpu.memory_space<vmem>>) target_semaphore(%arg12 : memref<!tpu.dma_semaphore, #tpu.memory_space<semaphore_mem>>)
      %slice3A_291 = vector.extract_strided_slice %get3A_11 {offsets = [7], sizes = [1], strides = [1]} : vector<16xi32> to vector<1xi32>
      %squeeze3A_292 = vector.extract %slice3A_291[0] : i32 from vector<1xi32>
      %slice3A_293 = vector.extract_strided_slice %get3A_15 {offsets = [7], sizes = [1], strides = [1]} : vector<16xi32> to vector<1xi32>
      %squeeze3A_294 = vector.extract %slice3A_293[0] : i32 from vector<1xi32>
      %shift_right_arithmetic3A_295 = arith.constant 7 : i32
      %shift_right_arithmetic3A_296 = arith.shrsi %squeeze3A_292, %shift_right_arithmetic3A_295 : i32
      %mul3A_297 = arith.constant 128 : i32
      %mul3A_298 = arith.muli %shift_right_arithmetic3A_296, %mul3A_297 : i32
      %multiple_of3A_299 = tpu.assume_multiple %mul3A_298, 128 : i32
      %shift_right_arithmetic3A_300 = arith.constant 7 : i32
      %shift_right_arithmetic3A_301 = arith.shrsi %squeeze3A_294, %shift_right_arithmetic3A_300 : i32
      %mul3A_302 = arith.constant 128 : i32
      %mul3A_303 = arith.muli %shift_right_arithmetic3A_301, %mul3A_302 : i32
      %multiple_of3A_304 = tpu.assume_multiple %mul3A_303, 128 : i32
      %dma_start3A_305 = arith.constant 7 : i32
      %dma_start3A_306 = arith.constant 0 : i32
      %dma_start3A_307 = arith.constant 0 : i32
      %dma_start3A_308 = tpu.memref_slice %arg9[%dma_start3A_305, %dma_start3A_306, %dma_start3A_307] : memref<16x16x128xf32, #tpu.memory_space<vmem>> -> memref<1x16x128xf32, #tpu.memory_space<vmem>>
      %dma_start3A_309 = tpu.memref_squeeze %dma_start3A_308 : memref<1x16x128xf32, #tpu.memory_space<vmem>> -> memref<16x128xf32, #tpu.memory_space<vmem>>
      %dma_start3A_310 = arith.constant 0 : i32
      %dma_start3A_311 = tpu.memref_slice %arg4[%dma_start3A_310, %multiple_of3A_299] : memref<16x1000000xf32, #tpu.memory_space<hbm>> -> memref<16x128xf32, #tpu.memory_space<hbm>>
      %dma_start3A_312 = arith.constant 0 : i32
      %dma_start3A_313 = arith.constant 0 : i32
      %dma_start3A_314 = tpu.memref_slice %arg9[%dma_start3A_305, %dma_start3A_312, %dma_start3A_313] : memref<16x16x128xf32, #tpu.memory_space<vmem>> -> memref<1x16x128xf32, #tpu.memory_space<vmem>>
      %dma_start3A_315 = tpu.memref_squeeze %dma_start3A_314 : memref<1x16x128xf32, #tpu.memory_space<vmem>> -> memref<16x128xf32, #tpu.memory_space<vmem>>
      %dma_start3A_316 = arith.constant 0 : i32
      %dma_start3A_317 = tpu.memref_slice %arg4[%dma_start3A_316, %multiple_of3A_299] : memref<16x1000000xf32, #tpu.memory_space<hbm>> -> memref<16x128xf32, #tpu.memory_space<hbm>>
      tpu.enqueue_dma source(%dma_start3A_317 : memref<16x128xf32, #tpu.memory_space<hbm>>) target(%dma_start3A_315 : memref<16x128xf32, #tpu.memory_space<vmem>>) target_semaphore(%arg12 : memref<!tpu.dma_semaphore, #tpu.memory_space<semaphore_mem>>)
      %dma_start3A_318 = arith.constant 7 : i32
      %dma_start3A_319 = arith.constant 0 : i32
      %dma_start3A_320 = arith.constant 0 : i32
      %dma_start3A_321 = tpu.memref_slice %arg10[%dma_start3A_318, %dma_start3A_319, %dma_start3A_320] : memref<16x16x128xf32, #tpu.memory_space<vmem>> -> memref<1x16x128xf32, #tpu.memory_space<vmem>>
      %dma_start3A_322 = tpu.memref_squeeze %dma_start3A_321 : memref<1x16x128xf32, #tpu.memory_space<vmem>> -> memref<16x128xf32, #tpu.memory_space<vmem>>
      %dma_start3A_323 = arith.constant 0 : i32
      %dma_start3A_324 = tpu.memref_slice %arg5[%dma_start3A_323, %multiple_of3A_304] : memref<16x1000000xf32, #tpu.memory_space<hbm>> -> memref<16x128xf32, #tpu.memory_space<hbm>>
      %dma_start3A_325 = arith.constant 0 : i32
      %dma_start3A_326 = arith.constant 0 : i32
      %dma_start3A_327 = tpu.memref_slice %arg10[%dma_start3A_318, %dma_start3A_325, %dma_start3A_326] : memref<16x16x128xf32, #tpu.memory_space<vmem>> -> memref<1x16x128xf32, #tpu.memory_space<vmem>>
      %dma_start3A_328 = tpu.memref_squeeze %dma_start3A_327 : memref<1x16x128xf32, #tpu.memory_space<vmem>> -> memref<16x128xf32, #tpu.memory_space<vmem>>
      %dma_start3A_329 = arith.constant 0 : i32
      %dma_start3A_330 = tpu.memref_slice %arg5[%dma_start3A_329, %multiple_of3A_304] : memref<16x1000000xf32, #tpu.memory_space<hbm>> -> memref<16x128xf32, #tpu.memory_space<hbm>>
      tpu.enqueue_dma source(%dma_start3A_330 : memref<16x128xf32, #tpu.memory_space<hbm>>) target(%dma_start3A_328 : memref<16x128xf32, #tpu.memory_space<vmem>>) target_semaphore(%arg12 : memref<!tpu.dma_semaphore, #tpu.memory_space<semaphore_mem>>)
      %slice3A_331 = vector.extract_strided_slice %get3A_11 {offsets = [8], sizes = [1], strides = [1]} : vector<16xi32> to vector<1xi32>
      %squeeze3A_332 = vector.extract %slice3A_331[0] : i32 from vector<1xi32>
      %slice3A_333 = vector.extract_strided_slice %get3A_15 {offsets = [8], sizes = [1], strides = [1]} : vector<16xi32> to vector<1xi32>
      %squeeze3A_334 = vector.extract %slice3A_333[0] : i32 from vector<1xi32>
      %shift_right_arithmetic3A_335 = arith.constant 7 : i32
      %shift_right_arithmetic3A_336 = arith.shrsi %squeeze3A_332, %shift_right_arithmetic3A_335 : i32
      %mul3A_337 = arith.constant 128 : i32
      %mul3A_338 = arith.muli %shift_right_arithmetic3A_336, %mul3A_337 : i32
      %multiple_of3A_339 = tpu.assume_multiple %mul3A_338, 128 : i32
      %shift_right_arithmetic3A_340 = arith.constant 7 : i32
      %shift_right_arithmetic3A_341 = arith.shrsi %squeeze3A_334, %shift_right_arithmetic3A_340 : i32
      %mul3A_342 = arith.constant 128 : i32
      %mul3A_343 = arith.muli %shift_right_arithmetic3A_341, %mul3A_342 : i32
      %multiple_of3A_344 = tpu.assume_multiple %mul3A_343, 128 : i32
      %dma_start3A_345 = arith.constant 8 : i32
      %dma_start3A_346 = arith.constant 0 : i32
      %dma_start3A_347 = arith.constant 0 : i32
      %dma_start3A_348 = tpu.memref_slice %arg9[%dma_start3A_345, %dma_start3A_346, %dma_start3A_347] : memref<16x16x128xf32, #tpu.memory_space<vmem>> -> memref<1x16x128xf32, #tpu.memory_space<vmem>>
      %dma_start3A_349 = tpu.memref_squeeze %dma_start3A_348 : memref<1x16x128xf32, #tpu.memory_space<vmem>> -> memref<16x128xf32, #tpu.memory_space<vmem>>
      %dma_start3A_350 = arith.constant 0 : i32
      %dma_start3A_351 = tpu.memref_slice %arg4[%dma_start3A_350, %multiple_of3A_339] : memref<16x1000000xf32, #tpu.memory_space<hbm>> -> memref<16x128xf32, #tpu.memory_space<hbm>>
      %dma_start3A_352 = arith.constant 0 : i32
      %dma_start3A_353 = arith.constant 0 : i32
      %dma_start3A_354 = tpu.memref_slice %arg9[%dma_start3A_345, %dma_start3A_352, %dma_start3A_353] : memref<16x16x128xf32, #tpu.memory_space<vmem>> -> memref<1x16x128xf32, #tpu.memory_space<vmem>>
      %dma_start3A_355 = tpu.memref_squeeze %dma_start3A_354 : memref<1x16x128xf32, #tpu.memory_space<vmem>> -> memref<16x128xf32, #tpu.memory_space<vmem>>
      %dma_start3A_356 = arith.constant 0 : i32
      %dma_start3A_357 = tpu.memref_slice %arg4[%dma_start3A_356, %multiple_of3A_339] : memref<16x1000000xf32, #tpu.memory_space<hbm>> -> memref<16x128xf32, #tpu.memory_space<hbm>>
      tpu.enqueue_dma source(%dma_start3A_357 : memref<16x128xf32, #tpu.memory_space<hbm>>) target(%dma_start3A_355 : memref<16x128xf32, #tpu.memory_space<vmem>>) target_semaphore(%arg12 : memref<!tpu.dma_semaphore, #tpu.memory_space<semaphore_mem>>)
      %dma_start3A_358 = arith.constant 8 : i32
      %dma_start3A_359 = arith.constant 0 : i32
      %dma_start3A_360 = arith.constant 0 : i32
      %dma_start3A_361 = tpu.memref_slice %arg10[%dma_start3A_358, %dma_start3A_359, %dma_start3A_360] : memref<16x16x128xf32, #tpu.memory_space<vmem>> -> memref<1x16x128xf32, #tpu.memory_space<vmem>>
      %dma_start3A_362 = tpu.memref_squeeze %dma_start3A_361 : memref<1x16x128xf32, #tpu.memory_space<vmem>> -> memref<16x128xf32, #tpu.memory_space<vmem>>
      %dma_start3A_363 = arith.constant 0 : i32
      %dma_start3A_364 = tpu.memref_slice %arg5[%dma_start3A_363, %multiple_of3A_344] : memref<16x1000000xf32, #tpu.memory_space<hbm>> -> memref<16x128xf32, #tpu.memory_space<hbm>>
      %dma_start3A_365 = arith.constant 0 : i32
      %dma_start3A_366 = arith.constant 0 : i32
      %dma_start3A_367 = tpu.memref_slice %arg10[%dma_start3A_358, %dma_start3A_365, %dma_start3A_366] : memref<16x16x128xf32, #tpu.memory_space<vmem>> -> memref<1x16x128xf32, #tpu.memory_space<vmem>>
      %dma_start3A_368 = tpu.memref_squeeze %dma_start3A_367 : memref<1x16x128xf32, #tpu.memory_space<vmem>> -> memref<16x128xf32, #tpu.memory_space<vmem>>
      %dma_start3A_369 = arith.constant 0 : i32
      %dma_start3A_370 = tpu.memref_slice %arg5[%dma_start3A_369, %multiple_of3A_344] : memref<16x1000000xf32, #tpu.memory_space<hbm>> -> memref<16x128xf32, #tpu.memory_space<hbm>>
      tpu.enqueue_dma source(%dma_start3A_370 : memref<16x128xf32, #tpu.memory_space<hbm>>) target(%dma_start3A_368 : memref<16x128xf32, #tpu.memory_space<vmem>>) target_semaphore(%arg12 : memref<!tpu.dma_semaphore, #tpu.memory_space<semaphore_mem>>)
      %slice3A_371 = vector.extract_strided_slice %get3A_11 {offsets = [9], sizes = [1], strides = [1]} : vector<16xi32> to vector<1xi32>
      %squeeze3A_372 = vector.extract %slice3A_371[0] : i32 from vector<1xi32>
      %slice3A_373 = vector.extract_strided_slice %get3A_15 {offsets = [9], sizes = [1], strides = [1]} : vector<16xi32> to vector<1xi32>
      %squeeze3A_374 = vector.extract %slice3A_373[0] : i32 from vector<1xi32>
      %shift_right_arithmetic3A_375 = arith.constant 7 : i32
      %shift_right_arithmetic3A_376 = arith.shrsi %squeeze3A_372, %shift_right_arithmetic3A_375 : i32
      %mul3A_377 = arith.constant 128 : i32
      %mul3A_378 = arith.muli %shift_right_arithmetic3A_376, %mul3A_377 : i32
      %multiple_of3A_379 = tpu.assume_multiple %mul3A_378, 128 : i32
      %shift_right_arithmetic3A_380 = arith.constant 7 : i32
      %shift_right_arithmetic3A_381 = arith.shrsi %squeeze3A_374, %shift_right_arithmetic3A_380 : i32
      %mul3A_382 = arith.constant 128 : i32
      %mul3A_383 = arith.muli %shift_right_arithmetic3A_381, %mul3A_382 : i32
      %multiple_of3A_384 = tpu.assume_multiple %mul3A_383, 128 : i32
      %dma_start3A_385 = arith.constant 9 : i32
      %dma_start3A_386 = arith.constant 0 : i32
      %dma_start3A_387 = arith.constant 0 : i32
      %dma_start3A_388 = tpu.memref_slice %arg9[%dma_start3A_385, %dma_start3A_386, %dma_start3A_387] : memref<16x16x128xf32, #tpu.memory_space<vmem>> -> memref<1x16x128xf32, #tpu.memory_space<vmem>>
      %dma_start3A_389 = tpu.memref_squeeze %dma_start3A_388 : memref<1x16x128xf32, #tpu.memory_space<vmem>> -> memref<16x128xf32, #tpu.memory_space<vmem>>
      %dma_start3A_390 = arith.constant 0 : i32
      %dma_start3A_391 = tpu.memref_slice %arg4[%dma_start3A_390, %multiple_of3A_379] : memref<16x1000000xf32, #tpu.memory_space<hbm>> -> memref<16x128xf32, #tpu.memory_space<hbm>>
      %dma_start3A_392 = arith.constant 0 : i32
      %dma_start3A_393 = arith.constant 0 : i32
      %dma_start3A_394 = tpu.memref_slice %arg9[%dma_start3A_385, %dma_start3A_392, %dma_start3A_393] : memref<16x16x128xf32, #tpu.memory_space<vmem>> -> memref<1x16x128xf32, #tpu.memory_space<vmem>>
      %dma_start3A_395 = tpu.memref_squeeze %dma_start3A_394 : memref<1x16x128xf32, #tpu.memory_space<vmem>> -> memref<16x128xf32, #tpu.memory_space<vmem>>
      %dma_start3A_396 = arith.constant 0 : i32
      %dma_start3A_397 = tpu.memref_slice %arg4[%dma_start3A_396, %multiple_of3A_379] : memref<16x1000000xf32, #tpu.memory_space<hbm>> -> memref<16x128xf32, #tpu.memory_space<hbm>>
      tpu.enqueue_dma source(%dma_start3A_397 : memref<16x128xf32, #tpu.memory_space<hbm>>) target(%dma_start3A_395 : memref<16x128xf32, #tpu.memory_space<vmem>>) target_semaphore(%arg12 : memref<!tpu.dma_semaphore, #tpu.memory_space<semaphore_mem>>)
      %dma_start3A_398 = arith.constant 9 : i32
      %dma_start3A_399 = arith.constant 0 : i32
      %dma_start3A_400 = arith.constant 0 : i32
      %dma_start3A_401 = tpu.memref_slice %arg10[%dma_start3A_398, %dma_start3A_399, %dma_start3A_400] : memref<16x16x128xf32, #tpu.memory_space<vmem>> -> memref<1x16x128xf32, #tpu.memory_space<vmem>>
      %dma_start3A_402 = tpu.memref_squeeze %dma_start3A_401 : memref<1x16x128xf32, #tpu.memory_space<vmem>> -> memref<16x128xf32, #tpu.memory_space<vmem>>
      %dma_start3A_403 = arith.constant 0 : i32
      %dma_start3A_404 = tpu.memref_slice %arg5[%dma_start3A_403, %multiple_of3A_384] : memref<16x1000000xf32, #tpu.memory_space<hbm>> -> memref<16x128xf32, #tpu.memory_space<hbm>>
      %dma_start3A_405 = arith.constant 0 : i32
      %dma_start3A_406 = arith.constant 0 : i32
      %dma_start3A_407 = tpu.memref_slice %arg10[%dma_start3A_398, %dma_start3A_405, %dma_start3A_406] : memref<16x16x128xf32, #tpu.memory_space<vmem>> -> memref<1x16x128xf32, #tpu.memory_space<vmem>>
      %dma_start3A_408 = tpu.memref_squeeze %dma_start3A_407 : memref<1x16x128xf32, #tpu.memory_space<vmem>> -> memref<16x128xf32, #tpu.memory_space<vmem>>
      %dma_start3A_409 = arith.constant 0 : i32
      %dma_start3A_410 = tpu.memref_slice %arg5[%dma_start3A_409, %multiple_of3A_384] : memref<16x1000000xf32, #tpu.memory_space<hbm>> -> memref<16x128xf32, #tpu.memory_space<hbm>>
      tpu.enqueue_dma source(%dma_start3A_410 : memref<16x128xf32, #tpu.memory_space<hbm>>) target(%dma_start3A_408 : memref<16x128xf32, #tpu.memory_space<vmem>>) target_semaphore(%arg12 : memref<!tpu.dma_semaphore, #tpu.memory_space<semaphore_mem>>)
      %slice3A_411 = vector.extract_strided_slice %get3A_11 {offsets = [10], sizes = [1], strides = [1]} : vector<16xi32> to vector<1xi32>
      %squeeze3A_412 = vector.extract %slice3A_411[0] : i32 from vector<1xi32>
      %slice3A_413 = vector.extract_strided_slice %get3A_15 {offsets = [10], sizes = [1], strides = [1]} : vector<16xi32> to vector<1xi32>
      %squeeze3A_414 = vector.extract %slice3A_413[0] : i32 from vector<1xi32>
      %shift_right_arithmetic3A_415 = arith.constant 7 : i32
      %shift_right_arithmetic3A_416 = arith.shrsi %squeeze3A_412, %shift_right_arithmetic3A_415 : i32
      %mul3A_417 = arith.constant 128 : i32
      %mul3A_418 = arith.muli %shift_right_arithmetic3A_416, %mul3A_417 : i32
      %multiple_of3A_419 = tpu.assume_multiple %mul3A_418, 128 : i32
      %shift_right_arithmetic3A_420 = arith.constant 7 : i32
      %shift_right_arithmetic3A_421 = arith.shrsi %squeeze3A_414, %shift_right_arithmetic3A_420 : i32
      %mul3A_422 = arith.constant 128 : i32
      %mul3A_423 = arith.muli %shift_right_arithmetic3A_421, %mul3A_422 : i32
      %multiple_of3A_424 = tpu.assume_multiple %mul3A_423, 128 : i32
      %dma_start3A_425 = arith.constant 10 : i32
      %dma_start3A_426 = arith.constant 0 : i32
      %dma_start3A_427 = arith.constant 0 : i32
      %dma_start3A_428 = tpu.memref_slice %arg9[%dma_start3A_425, %dma_start3A_426, %dma_start3A_427] : memref<16x16x128xf32, #tpu.memory_space<vmem>> -> memref<1x16x128xf32, #tpu.memory_space<vmem>>
      %dma_start3A_429 = tpu.memref_squeeze %dma_start3A_428 : memref<1x16x128xf32, #tpu.memory_space<vmem>> -> memref<16x128xf32, #tpu.memory_space<vmem>>
      %dma_start3A_430 = arith.constant 0 : i32
      %dma_start3A_431 = tpu.memref_slice %arg4[%dma_start3A_430, %multiple_of3A_419] : memref<16x1000000xf32, #tpu.memory_space<hbm>> -> memref<16x128xf32, #tpu.memory_space<hbm>>
      %dma_start3A_432 = arith.constant 0 : i32
      %dma_start3A_433 = arith.constant 0 : i32
      %dma_start3A_434 = tpu.memref_slice %arg9[%dma_start3A_425, %dma_start3A_432, %dma_start3A_433] : memref<16x16x128xf32, #tpu.memory_space<vmem>> -> memref<1x16x128xf32, #tpu.memory_space<vmem>>
      %dma_start3A_435 = tpu.memref_squeeze %dma_start3A_434 : memref<1x16x128xf32, #tpu.memory_space<vmem>> -> memref<16x128xf32, #tpu.memory_space<vmem>>
      %dma_start3A_436 = arith.constant 0 : i32
      %dma_start3A_437 = tpu.memref_slice %arg4[%dma_start3A_436, %multiple_of3A_419] : memref<16x1000000xf32, #tpu.memory_space<hbm>> -> memref<16x128xf32, #tpu.memory_space<hbm>>
      tpu.enqueue_dma source(%dma_start3A_437 : memref<16x128xf32, #tpu.memory_space<hbm>>) target(%dma_start3A_435 : memref<16x128xf32, #tpu.memory_space<vmem>>) target_semaphore(%arg12 : memref<!tpu.dma_semaphore, #tpu.memory_space<semaphore_mem>>)
      %dma_start3A_438 = arith.constant 10 : i32
      %dma_start3A_439 = arith.constant 0 : i32
      %dma_start3A_440 = arith.constant 0 : i32
      %dma_start3A_441 = tpu.memref_slice %arg10[%dma_start3A_438, %dma_start3A_439, %dma_start3A_440] : memref<16x16x128xf32, #tpu.memory_space<vmem>> -> memref<1x16x128xf32, #tpu.memory_space<vmem>>
      %dma_start3A_442 = tpu.memref_squeeze %dma_start3A_441 : memref<1x16x128xf32, #tpu.memory_space<vmem>> -> memref<16x128xf32, #tpu.memory_space<vmem>>
      %dma_start3A_443 = arith.constant 0 : i32
      %dma_start3A_444 = tpu.memref_slice %arg5[%dma_start3A_443, %multiple_of3A_424] : memref<16x1000000xf32, #tpu.memory_space<hbm>> -> memref<16x128xf32, #tpu.memory_space<hbm>>
      %dma_start3A_445 = arith.constant 0 : i32
      %dma_start3A_446 = arith.constant 0 : i32
      %dma_start3A_447 = tpu.memref_slice %arg10[%dma_start3A_438, %dma_start3A_445, %dma_start3A_446] : memref<16x16x128xf32, #tpu.memory_space<vmem>> -> memref<1x16x128xf32, #tpu.memory_space<vmem>>
      %dma_start3A_448 = tpu.memref_squeeze %dma_start3A_447 : memref<1x16x128xf32, #tpu.memory_space<vmem>> -> memref<16x128xf32, #tpu.memory_space<vmem>>
      %dma_start3A_449 = arith.constant 0 : i32
      %dma_start3A_450 = tpu.memref_slice %arg5[%dma_start3A_449, %multiple_of3A_424] : memref<16x1000000xf32, #tpu.memory_space<hbm>> -> memref<16x128xf32, #tpu.memory_space<hbm>>
      tpu.enqueue_dma source(%dma_start3A_450 : memref<16x128xf32, #tpu.memory_space<hbm>>) target(%dma_start3A_448 : memref<16x128xf32, #tpu.memory_space<vmem>>) target_semaphore(%arg12 : memref<!tpu.dma_semaphore, #tpu.memory_space<semaphore_mem>>)
      %slice3A_451 = vector.extract_strided_slice %get3A_11 {offsets = [11], sizes = [1], strides = [1]} : vector<16xi32> to vector<1xi32>
      %squeeze3A_452 = vector.extract %slice3A_451[0] : i32 from vector<1xi32>
      %slice3A_453 = vector.extract_strided_slice %get3A_15 {offsets = [11], sizes = [1], strides = [1]} : vector<16xi32> to vector<1xi32>
      %squeeze3A_454 = vector.extract %slice3A_453[0] : i32 from vector<1xi32>
      %shift_right_arithmetic3A_455 = arith.constant 7 : i32
      %shift_right_arithmetic3A_456 = arith.shrsi %squeeze3A_452, %shift_right_arithmetic3A_455 : i32
      %mul3A_457 = arith.constant 128 : i32
      %mul3A_458 = arith.muli %shift_right_arithmetic3A_456, %mul3A_457 : i32
      %multiple_of3A_459 = tpu.assume_multiple %mul3A_458, 128 : i32
      %shift_right_arithmetic3A_460 = arith.constant 7 : i32
      %shift_right_arithmetic3A_461 = arith.shrsi %squeeze3A_454, %shift_right_arithmetic3A_460 : i32
      %mul3A_462 = arith.constant 128 : i32
      %mul3A_463 = arith.muli %shift_right_arithmetic3A_461, %mul3A_462 : i32
      %multiple_of3A_464 = tpu.assume_multiple %mul3A_463, 128 : i32
      %dma_start3A_465 = arith.constant 11 : i32
      %dma_start3A_466 = arith.constant 0 : i32
      %dma_start3A_467 = arith.constant 0 : i32
      %dma_start3A_468 = tpu.memref_slice %arg9[%dma_start3A_465, %dma_start3A_466, %dma_start3A_467] : memref<16x16x128xf32, #tpu.memory_space<vmem>> -> memref<1x16x128xf32, #tpu.memory_space<vmem>>
      %dma_start3A_469 = tpu.memref_squeeze %dma_start3A_468 : memref<1x16x128xf32, #tpu.memory_space<vmem>> -> memref<16x128xf32, #tpu.memory_space<vmem>>
      %dma_start3A_470 = arith.constant 0 : i32
      %dma_start3A_471 = tpu.memref_slice %arg4[%dma_start3A_470, %multiple_of3A_459] : memref<16x1000000xf32, #tpu.memory_space<hbm>> -> memref<16x128xf32, #tpu.memory_space<hbm>>
      %dma_start3A_472 = arith.constant 0 : i32
      %dma_start3A_473 = arith.constant 0 : i32
      %dma_start3A_474 = tpu.memref_slice %arg9[%dma_start3A_465, %dma_start3A_472, %dma_start3A_473] : memref<16x16x128xf32, #tpu.memory_space<vmem>> -> memref<1x16x128xf32, #tpu.memory_space<vmem>>
      %dma_start3A_475 = tpu.memref_squeeze %dma_start3A_474 : memref<1x16x128xf32, #tpu.memory_space<vmem>> -> memref<16x128xf32, #tpu.memory_space<vmem>>
      %dma_start3A_476 = arith.constant 0 : i32
      %dma_start3A_477 = tpu.memref_slice %arg4[%dma_start3A_476, %multiple_of3A_459] : memref<16x1000000xf32, #tpu.memory_space<hbm>> -> memref<16x128xf32, #tpu.memory_space<hbm>>
      tpu.enqueue_dma source(%dma_start3A_477 : memref<16x128xf32, #tpu.memory_space<hbm>>) target(%dma_start3A_475 : memref<16x128xf32, #tpu.memory_space<vmem>>) target_semaphore(%arg12 : memref<!tpu.dma_semaphore, #tpu.memory_space<semaphore_mem>>)
      %dma_start3A_478 = arith.constant 11 : i32
      %dma_start3A_479 = arith.constant 0 : i32
      %dma_start3A_480 = arith.constant 0 : i32
      %dma_start3A_481 = tpu.memref_slice %arg10[%dma_start3A_478, %dma_start3A_479, %dma_start3A_480] : memref<16x16x128xf32, #tpu.memory_space<vmem>> -> memref<1x16x128xf32, #tpu.memory_space<vmem>>
      %dma_start3A_482 = tpu.memref_squeeze %dma_start3A_481 : memref<1x16x128xf32, #tpu.memory_space<vmem>> -> memref<16x128xf32, #tpu.memory_space<vmem>>
      %dma_start3A_483 = arith.constant 0 : i32
      %dma_start3A_484 = tpu.memref_slice %arg5[%dma_start3A_483, %multiple_of3A_464] : memref<16x1000000xf32, #tpu.memory_space<hbm>> -> memref<16x128xf32, #tpu.memory_space<hbm>>
      %dma_start3A_485 = arith.constant 0 : i32
      %dma_start3A_486 = arith.constant 0 : i32
      %dma_start3A_487 = tpu.memref_slice %arg10[%dma_start3A_478, %dma_start3A_485, %dma_start3A_486] : memref<16x16x128xf32, #tpu.memory_space<vmem>> -> memref<1x16x128xf32, #tpu.memory_space<vmem>>
      %dma_start3A_488 = tpu.memref_squeeze %dma_start3A_487 : memref<1x16x128xf32, #tpu.memory_space<vmem>> -> memref<16x128xf32, #tpu.memory_space<vmem>>
      %dma_start3A_489 = arith.constant 0 : i32
      %dma_start3A_490 = tpu.memref_slice %arg5[%dma_start3A_489, %multiple_of3A_464] : memref<16x1000000xf32, #tpu.memory_space<hbm>> -> memref<16x128xf32, #tpu.memory_space<hbm>>
      tpu.enqueue_dma source(%dma_start3A_490 : memref<16x128xf32, #tpu.memory_space<hbm>>) target(%dma_start3A_488 : memref<16x128xf32, #tpu.memory_space<vmem>>) target_semaphore(%arg12 : memref<!tpu.dma_semaphore, #tpu.memory_space<semaphore_mem>>)
      %slice3A_491 = vector.extract_strided_slice %get3A_11 {offsets = [12], sizes = [1], strides = [1]} : vector<16xi32> to vector<1xi32>
      %squeeze3A_492 = vector.extract %slice3A_491[0] : i32 from vector<1xi32>
      %slice3A_493 = vector.extract_strided_slice %get3A_15 {offsets = [12], sizes = [1], strides = [1]} : vector<16xi32> to vector<1xi32>
      %squeeze3A_494 = vector.extract %slice3A_493[0] : i32 from vector<1xi32>
      %shift_right_arithmetic3A_495 = arith.constant 7 : i32
      %shift_right_arithmetic3A_496 = arith.shrsi %squeeze3A_492, %shift_right_arithmetic3A_495 : i32
      %mul3A_497 = arith.constant 128 : i32
      %mul3A_498 = arith.muli %shift_right_arithmetic3A_496, %mul3A_497 : i32
      %multiple_of3A_499 = tpu.assume_multiple %mul3A_498, 128 : i32
      %shift_right_arithmetic3A_500 = arith.constant 7 : i32
      %shift_right_arithmetic3A_501 = arith.shrsi %squeeze3A_494, %shift_right_arithmetic3A_500 : i32
      %mul3A_502 = arith.constant 128 : i32
      %mul3A_503 = arith.muli %shift_right_arithmetic3A_501, %mul3A_502 : i32
      %multiple_of3A_504 = tpu.assume_multiple %mul3A_503, 128 : i32
      %dma_start3A_505 = arith.constant 12 : i32
      %dma_start3A_506 = arith.constant 0 : i32
      %dma_start3A_507 = arith.constant 0 : i32
      %dma_start3A_508 = tpu.memref_slice %arg9[%dma_start3A_505, %dma_start3A_506, %dma_start3A_507] : memref<16x16x128xf32, #tpu.memory_space<vmem>> -> memref<1x16x128xf32, #tpu.memory_space<vmem>>
      %dma_start3A_509 = tpu.memref_squeeze %dma_start3A_508 : memref<1x16x128xf32, #tpu.memory_space<vmem>> -> memref<16x128xf32, #tpu.memory_space<vmem>>
      %dma_start3A_510 = arith.constant 0 : i32
      %dma_start3A_511 = tpu.memref_slice %arg4[%dma_start3A_510, %multiple_of3A_499] : memref<16x1000000xf32, #tpu.memory_space<hbm>> -> memref<16x128xf32, #tpu.memory_space<hbm>>
      %dma_start3A_512 = arith.constant 0 : i32
      %dma_start3A_513 = arith.constant 0 : i32
      %dma_start3A_514 = tpu.memref_slice %arg9[%dma_start3A_505, %dma_start3A_512, %dma_start3A_513] : memref<16x16x128xf32, #tpu.memory_space<vmem>> -> memref<1x16x128xf32, #tpu.memory_space<vmem>>
      %dma_start3A_515 = tpu.memref_squeeze %dma_start3A_514 : memref<1x16x128xf32, #tpu.memory_space<vmem>> -> memref<16x128xf32, #tpu.memory_space<vmem>>
      %dma_start3A_516 = arith.constant 0 : i32
      %dma_start3A_517 = tpu.memref_slice %arg4[%dma_start3A_516, %multiple_of3A_499] : memref<16x1000000xf32, #tpu.memory_space<hbm>> -> memref<16x128xf32, #tpu.memory_space<hbm>>
      tpu.enqueue_dma source(%dma_start3A_517 : memref<16x128xf32, #tpu.memory_space<hbm>>) target(%dma_start3A_515 : memref<16x128xf32, #tpu.memory_space<vmem>>) target_semaphore(%arg12 : memref<!tpu.dma_semaphore, #tpu.memory_space<semaphore_mem>>)
      %dma_start3A_518 = arith.constant 12 : i32
      %dma_start3A_519 = arith.constant 0 : i32
      %dma_start3A_520 = arith.constant 0 : i32
      %dma_start3A_521 = tpu.memref_slice %arg10[%dma_start3A_518, %dma_start3A_519, %dma_start3A_520] : memref<16x16x128xf32, #tpu.memory_space<vmem>> -> memref<1x16x128xf32, #tpu.memory_space<vmem>>
      %dma_start3A_522 = tpu.memref_squeeze %dma_start3A_521 : memref<1x16x128xf32, #tpu.memory_space<vmem>> -> memref<16x128xf32, #tpu.memory_space<vmem>>
      %dma_start3A_523 = arith.constant 0 : i32
      %dma_start3A_524 = tpu.memref_slice %arg5[%dma_start3A_523, %multiple_of3A_504] : memref<16x1000000xf32, #tpu.memory_space<hbm>> -> memref<16x128xf32, #tpu.memory_space<hbm>>
      %dma_start3A_525 = arith.constant 0 : i32
      %dma_start3A_526 = arith.constant 0 : i32
      %dma_start3A_527 = tpu.memref_slice %arg10[%dma_start3A_518, %dma_start3A_525, %dma_start3A_526] : memref<16x16x128xf32, #tpu.memory_space<vmem>> -> memref<1x16x128xf32, #tpu.memory_space<vmem>>
      %dma_start3A_528 = tpu.memref_squeeze %dma_start3A_527 : memref<1x16x128xf32, #tpu.memory_space<vmem>> -> memref<16x128xf32, #tpu.memory_space<vmem>>
      %dma_start3A_529 = arith.constant 0 : i32
      %dma_start3A_530 = tpu.memref_slice %arg5[%dma_start3A_529, %multiple_of3A_504] : memref<16x1000000xf32, #tpu.memory_space<hbm>> -> memref<16x128xf32, #tpu.memory_space<hbm>>
      tpu.enqueue_dma source(%dma_start3A_530 : memref<16x128xf32, #tpu.memory_space<hbm>>) target(%dma_start3A_528 : memref<16x128xf32, #tpu.memory_space<vmem>>) target_semaphore(%arg12 : memref<!tpu.dma_semaphore, #tpu.memory_space<semaphore_mem>>)
      %slice3A_531 = vector.extract_strided_slice %get3A_11 {offsets = [13], sizes = [1], strides = [1]} : vector<16xi32> to vector<1xi32>
      %squeeze3A_532 = vector.extract %slice3A_531[0] : i32 from vector<1xi32>
      %slice3A_533 = vector.extract_strided_slice %get3A_15 {offsets = [13], sizes = [1], strides = [1]} : vector<16xi32> to vector<1xi32>
      %squeeze3A_534 = vector.extract %slice3A_533[0] : i32 from vector<1xi32>
      %shift_right_arithmetic3A_535 = arith.constant 7 : i32
      %shift_right_arithmetic3A_536 = arith.shrsi %squeeze3A_532, %shift_right_arithmetic3A_535 : i32
      %mul3A_537 = arith.constant 128 : i32
      %mul3A_538 = arith.muli %shift_right_arithmetic3A_536, %mul3A_537 : i32
      %multiple_of3A_539 = tpu.assume_multiple %mul3A_538, 128 : i32
      %shift_right_arithmetic3A_540 = arith.constant 7 : i32
      %shift_right_arithmetic3A_541 = arith.shrsi %squeeze3A_534, %shift_right_arithmetic3A_540 : i32
      %mul3A_542 = arith.constant 128 : i32
      %mul3A_543 = arith.muli %shift_right_arithmetic3A_541, %mul3A_542 : i32
      %multiple_of3A_544 = tpu.assume_multiple %mul3A_543, 128 : i32
      %dma_start3A_545 = arith.constant 13 : i32
      %dma_start3A_546 = arith.constant 0 : i32
      %dma_start3A_547 = arith.constant 0 : i32
      %dma_start3A_548 = tpu.memref_slice %arg9[%dma_start3A_545, %dma_start3A_546, %dma_start3A_547] : memref<16x16x128xf32, #tpu.memory_space<vmem>> -> memref<1x16x128xf32, #tpu.memory_space<vmem>>
      %dma_start3A_549 = tpu.memref_squeeze %dma_start3A_548 : memref<1x16x128xf32, #tpu.memory_space<vmem>> -> memref<16x128xf32, #tpu.memory_space<vmem>>
      %dma_start3A_550 = arith.constant 0 : i32
      %dma_start3A_551 = tpu.memref_slice %arg4[%dma_start3A_550, %multiple_of3A_539] : memref<16x1000000xf32, #tpu.memory_space<hbm>> -> memref<16x128xf32, #tpu.memory_space<hbm>>
      %dma_start3A_552 = arith.constant 0 : i32
      %dma_start3A_553 = arith.constant 0 : i32
      %dma_start3A_554 = tpu.memref_slice %arg9[%dma_start3A_545, %dma_start3A_552, %dma_start3A_553] : memref<16x16x128xf32, #tpu.memory_space<vmem>> -> memref<1x16x128xf32, #tpu.memory_space<vmem>>
      %dma_start3A_555 = tpu.memref_squeeze %dma_start3A_554 : memref<1x16x128xf32, #tpu.memory_space<vmem>> -> memref<16x128xf32, #tpu.memory_space<vmem>>
      %dma_start3A_556 = arith.constant 0 : i32
      %dma_start3A_557 = tpu.memref_slice %arg4[%dma_start3A_556, %multiple_of3A_539] : memref<16x1000000xf32, #tpu.memory_space<hbm>> -> memref<16x128xf32, #tpu.memory_space<hbm>>
      tpu.enqueue_dma source(%dma_start3A_557 : memref<16x128xf32, #tpu.memory_space<hbm>>) target(%dma_start3A_555 : memref<16x128xf32, #tpu.memory_space<vmem>>) target_semaphore(%arg12 : memref<!tpu.dma_semaphore, #tpu.memory_space<semaphore_mem>>)
      %dma_start3A_558 = arith.constant 13 : i32
      %dma_start3A_559 = arith.constant 0 : i32
      %dma_start3A_560 = arith.constant 0 : i32
      %dma_start3A_561 = tpu.memref_slice %arg10[%dma_start3A_558, %dma_start3A_559, %dma_start3A_560] : memref<16x16x128xf32, #tpu.memory_space<vmem>> -> memref<1x16x128xf32, #tpu.memory_space<vmem>>
      %dma_start3A_562 = tpu.memref_squeeze %dma_start3A_561 : memref<1x16x128xf32, #tpu.memory_space<vmem>> -> memref<16x128xf32, #tpu.memory_space<vmem>>
      %dma_start3A_563 = arith.constant 0 : i32
      %dma_start3A_564 = tpu.memref_slice %arg5[%dma_start3A_563, %multiple_of3A_544] : memref<16x1000000xf32, #tpu.memory_space<hbm>> -> memref<16x128xf32, #tpu.memory_space<hbm>>
      %dma_start3A_565 = arith.constant 0 : i32
      %dma_start3A_566 = arith.constant 0 : i32
      %dma_start3A_567 = tpu.memref_slice %arg10[%dma_start3A_558, %dma_start3A_565, %dma_start3A_566] : memref<16x16x128xf32, #tpu.memory_space<vmem>> -> memref<1x16x128xf32, #tpu.memory_space<vmem>>
      %dma_start3A_568 = tpu.memref_squeeze %dma_start3A_567 : memref<1x16x128xf32, #tpu.memory_space<vmem>> -> memref<16x128xf32, #tpu.memory_space<vmem>>
      %dma_start3A_569 = arith.constant 0 : i32
      %dma_start3A_570 = tpu.memref_slice %arg5[%dma_start3A_569, %multiple_of3A_544] : memref<16x1000000xf32, #tpu.memory_space<hbm>> -> memref<16x128xf32, #tpu.memory_space<hbm>>
      tpu.enqueue_dma source(%dma_start3A_570 : memref<16x128xf32, #tpu.memory_space<hbm>>) target(%dma_start3A_568 : memref<16x128xf32, #tpu.memory_space<vmem>>) target_semaphore(%arg12 : memref<!tpu.dma_semaphore, #tpu.memory_space<semaphore_mem>>)
      %slice3A_571 = vector.extract_strided_slice %get3A_11 {offsets = [14], sizes = [1], strides = [1]} : vector<16xi32> to vector<1xi32>
      %squeeze3A_572 = vector.extract %slice3A_571[0] : i32 from vector<1xi32>
      %slice3A_573 = vector.extract_strided_slice %get3A_15 {offsets = [14], sizes = [1], strides = [1]} : vector<16xi32> to vector<1xi32>
      %squeeze3A_574 = vector.extract %slice3A_573[0] : i32 from vector<1xi32>
      %shift_right_arithmetic3A_575 = arith.constant 7 : i32
      %shift_right_arithmetic3A_576 = arith.shrsi %squeeze3A_572, %shift_right_arithmetic3A_575 : i32
      %mul3A_577 = arith.constant 128 : i32
      %mul3A_578 = arith.muli %shift_right_arithmetic3A_576, %mul3A_577 : i32
      %multiple_of3A_579 = tpu.assume_multiple %mul3A_578, 128 : i32
      %shift_right_arithmetic3A_580 = arith.constant 7 : i32
      %shift_right_arithmetic3A_581 = arith.shrsi %squeeze3A_574, %shift_right_arithmetic3A_580 : i32
      %mul3A_582 = arith.constant 128 : i32
      %mul3A_583 = arith.muli %shift_right_arithmetic3A_581, %mul3A_582 : i32
      %multiple_of3A_584 = tpu.assume_multiple %mul3A_583, 128 : i32
      %dma_start3A_585 = arith.constant 14 : i32
      %dma_start3A_586 = arith.constant 0 : i32
      %dma_start3A_587 = arith.constant 0 : i32
      %dma_start3A_588 = tpu.memref_slice %arg9[%dma_start3A_585, %dma_start3A_586, %dma_start3A_587] : memref<16x16x128xf32, #tpu.memory_space<vmem>> -> memref<1x16x128xf32, #tpu.memory_space<vmem>>
      %dma_start3A_589 = tpu.memref_squeeze %dma_start3A_588 : memref<1x16x128xf32, #tpu.memory_space<vmem>> -> memref<16x128xf32, #tpu.memory_space<vmem>>
      %dma_start3A_590 = arith.constant 0 : i32
      %dma_start3A_591 = tpu.memref_slice %arg4[%dma_start3A_590, %multiple_of3A_579] : memref<16x1000000xf32, #tpu.memory_space<hbm>> -> memref<16x128xf32, #tpu.memory_space<hbm>>
      %dma_start3A_592 = arith.constant 0 : i32
      %dma_start3A_593 = arith.constant 0 : i32
      %dma_start3A_594 = tpu.memref_slice %arg9[%dma_start3A_585, %dma_start3A_592, %dma_start3A_593] : memref<16x16x128xf32, #tpu.memory_space<vmem>> -> memref<1x16x128xf32, #tpu.memory_space<vmem>>
      %dma_start3A_595 = tpu.memref_squeeze %dma_start3A_594 : memref<1x16x128xf32, #tpu.memory_space<vmem>> -> memref<16x128xf32, #tpu.memory_space<vmem>>
      %dma_start3A_596 = arith.constant 0 : i32
      %dma_start3A_597 = tpu.memref_slice %arg4[%dma_start3A_596, %multiple_of3A_579] : memref<16x1000000xf32, #tpu.memory_space<hbm>> -> memref<16x128xf32, #tpu.memory_space<hbm>>
      tpu.enqueue_dma source(%dma_start3A_597 : memref<16x128xf32, #tpu.memory_space<hbm>>) target(%dma_start3A_595 : memref<16x128xf32, #tpu.memory_space<vmem>>) target_semaphore(%arg12 : memref<!tpu.dma_semaphore, #tpu.memory_space<semaphore_mem>>)
      %dma_start3A_598 = arith.constant 14 : i32
      %dma_start3A_599 = arith.constant 0 : i32
      %dma_start3A_600 = arith.constant 0 : i32
      %dma_start3A_601 = tpu.memref_slice %arg10[%dma_start3A_598, %dma_start3A_599, %dma_start3A_600] : memref<16x16x128xf32, #tpu.memory_space<vmem>> -> memref<1x16x128xf32, #tpu.memory_space<vmem>>
      %dma_start3A_602 = tpu.memref_squeeze %dma_start3A_601 : memref<1x16x128xf32, #tpu.memory_space<vmem>> -> memref<16x128xf32, #tpu.memory_space<vmem>>
      %dma_start3A_603 = arith.constant 0 : i32
      %dma_start3A_604 = tpu.memref_slice %arg5[%dma_start3A_603, %multiple_of3A_584] : memref<16x1000000xf32, #tpu.memory_space<hbm>> -> memref<16x128xf32, #tpu.memory_space<hbm>>
      %dma_start3A_605 = arith.constant 0 : i32
      %dma_start3A_606 = arith.constant 0 : i32
      %dma_start3A_607 = tpu.memref_slice %arg10[%dma_start3A_598, %dma_start3A_605, %dma_start3A_606] : memref<16x16x128xf32, #tpu.memory_space<vmem>> -> memref<1x16x128xf32, #tpu.memory_space<vmem>>
      %dma_start3A_608 = tpu.memref_squeeze %dma_start3A_607 : memref<1x16x128xf32, #tpu.memory_space<vmem>> -> memref<16x128xf32, #tpu.memory_space<vmem>>
      %dma_start3A_609 = arith.constant 0 : i32
      %dma_start3A_610 = tpu.memref_slice %arg5[%dma_start3A_609, %multiple_of3A_584] : memref<16x1000000xf32, #tpu.memory_space<hbm>> -> memref<16x128xf32, #tpu.memory_space<hbm>>
      tpu.enqueue_dma source(%dma_start3A_610 : memref<16x128xf32, #tpu.memory_space<hbm>>) target(%dma_start3A_608 : memref<16x128xf32, #tpu.memory_space<vmem>>) target_semaphore(%arg12 : memref<!tpu.dma_semaphore, #tpu.memory_space<semaphore_mem>>)
      %slice3A_611 = vector.extract_strided_slice %get3A_11 {offsets = [15], sizes = [1], strides = [1]} : vector<16xi32> to vector<1xi32>
      %squeeze3A_612 = vector.extract %slice3A_611[0] : i32 from vector<1xi32>
      %slice3A_613 = vector.extract_strided_slice %get3A_15 {offsets = [15], sizes = [1], strides = [1]} : vector<16xi32> to vector<1xi32>
      %squeeze3A_614 = vector.extract %slice3A_613[0] : i32 from vector<1xi32>
      %shift_right_arithmetic3A_615 = arith.constant 7 : i32
      %shift_right_arithmetic3A_616 = arith.shrsi %squeeze3A_612, %shift_right_arithmetic3A_615 : i32
      %mul3A_617 = arith.constant 128 : i32
      %mul3A_618 = arith.muli %shift_right_arithmetic3A_616, %mul3A_617 : i32
      %multiple_of3A_619 = tpu.assume_multiple %mul3A_618, 128 : i32
      %shift_right_arithmetic3A_620 = arith.constant 7 : i32
      %shift_right_arithmetic3A_621 = arith.shrsi %squeeze3A_614, %shift_right_arithmetic3A_620 : i32
      %mul3A_622 = arith.constant 128 : i32
      %mul3A_623 = arith.muli %shift_right_arithmetic3A_621, %mul3A_622 : i32
      %multiple_of3A_624 = tpu.assume_multiple %mul3A_623, 128 : i32
      %dma_start3A_625 = arith.constant 15 : i32
      %dma_start3A_626 = arith.constant 0 : i32
      %dma_start3A_627 = arith.constant 0 : i32
      %dma_start3A_628 = tpu.memref_slice %arg9[%dma_start3A_625, %dma_start3A_626, %dma_start3A_627] : memref<16x16x128xf32, #tpu.memory_space<vmem>> -> memref<1x16x128xf32, #tpu.memory_space<vmem>>
      %dma_start3A_629 = tpu.memref_squeeze %dma_start3A_628 : memref<1x16x128xf32, #tpu.memory_space<vmem>> -> memref<16x128xf32, #tpu.memory_space<vmem>>
      %dma_start3A_630 = arith.constant 0 : i32
      %dma_start3A_631 = tpu.memref_slice %arg4[%dma_start3A_630, %multiple_of3A_619] : memref<16x1000000xf32, #tpu.memory_space<hbm>> -> memref<16x128xf32, #tpu.memory_space<hbm>>
      %dma_start3A_632 = arith.constant 0 : i32
      %dma_start3A_633 = arith.constant 0 : i32
      %dma_start3A_634 = tpu.memref_slice %arg9[%dma_start3A_625, %dma_start3A_632, %dma_start3A_633] : memref<16x16x128xf32, #tpu.memory_space<vmem>> -> memref<1x16x128xf32, #tpu.memory_space<vmem>>
      %dma_start3A_635 = tpu.memref_squeeze %dma_start3A_634 : memref<1x16x128xf32, #tpu.memory_space<vmem>> -> memref<16x128xf32, #tpu.memory_space<vmem>>
      %dma_start3A_636 = arith.constant 0 : i32
      %dma_start3A_637 = tpu.memref_slice %arg4[%dma_start3A_636, %multiple_of3A_619] : memref<16x1000000xf32, #tpu.memory_space<hbm>> -> memref<16x128xf32, #tpu.memory_space<hbm>>
      tpu.enqueue_dma source(%dma_start3A_637 : memref<16x128xf32, #tpu.memory_space<hbm>>) target(%dma_start3A_635 : memref<16x128xf32, #tpu.memory_space<vmem>>) target_semaphore(%arg12 : memref<!tpu.dma_semaphore, #tpu.memory_space<semaphore_mem>>)
      %dma_start3A_638 = arith.constant 15 : i32
      %dma_start3A_639 = arith.constant 0 : i32
      %dma_start3A_640 = arith.constant 0 : i32
      %dma_start3A_641 = tpu.memref_slice %arg10[%dma_start3A_638, %dma_start3A_639, %dma_start3A_640] : memref<16x16x128xf32, #tpu.memory_space<vmem>> -> memref<1x16x128xf32, #tpu.memory_space<vmem>>
      %dma_start3A_642 = tpu.memref_squeeze %dma_start3A_641 : memref<1x16x128xf32, #tpu.memory_space<vmem>> -> memref<16x128xf32, #tpu.memory_space<vmem>>
      %dma_start3A_643 = arith.constant 0 : i32
      %dma_start3A_644 = tpu.memref_slice %arg5[%dma_start3A_643, %multiple_of3A_624] : memref<16x1000000xf32, #tpu.memory_space<hbm>> -> memref<16x128xf32, #tpu.memory_space<hbm>>
      %dma_start3A_645 = arith.constant 0 : i32
      %dma_start3A_646 = arith.constant 0 : i32
      %dma_start3A_647 = tpu.memref_slice %arg10[%dma_start3A_638, %dma_start3A_645, %dma_start3A_646] : memref<16x16x128xf32, #tpu.memory_space<vmem>> -> memref<1x16x128xf32, #tpu.memory_space<vmem>>
      %dma_start3A_648 = tpu.memref_squeeze %dma_start3A_647 : memref<1x16x128xf32, #tpu.memory_space<vmem>> -> memref<16x128xf32, #tpu.memory_space<vmem>>
      %dma_start3A_649 = arith.constant 0 : i32
      %dma_start3A_650 = tpu.memref_slice %arg5[%dma_start3A_649, %multiple_of3A_624] : memref<16x1000000xf32, #tpu.memory_space<hbm>> -> memref<16x128xf32, #tpu.memory_space<hbm>>
      tpu.enqueue_dma source(%dma_start3A_650 : memref<16x128xf32, #tpu.memory_space<hbm>>) target(%dma_start3A_648 : memref<16x128xf32, #tpu.memory_space<vmem>>) target_semaphore(%arg12 : memref<!tpu.dma_semaphore, #tpu.memory_space<semaphore_mem>>)
      %dma_wait3A = arith.constant 0 : i32
      %dma_wait3A_651 = arith.constant 0 : i32
      %dma_wait3A_652 = tpu.memref_slice %arg4[%dma_wait3A, %dma_wait3A_651] : memref<16x1000000xf32, #tpu.memory_space<hbm>> -> memref<16x2048xf32, #tpu.memory_space<hbm>>
      %dma_wait3A_653 = arith.constant 0 : i32
      %dma_wait3A_654 = arith.constant 0 : i32
      %dma_wait3A_655 = tpu.memref_slice %arg4[%dma_wait3A_653, %dma_wait3A_654] : memref<16x1000000xf32, #tpu.memory_space<hbm>> -> memref<16x2048xf32, #tpu.memory_space<hbm>>
      tpu.wait_dma2 semaphore(%arg12 : memref<!tpu.dma_semaphore, #tpu.memory_space<semaphore_mem>>) src(%dma_wait3A_655 : memref<16x2048xf32, #tpu.memory_space<hbm>>) dst(%arg9 : memref<16x16x128xf32, #tpu.memory_space<vmem>>)
      %dma_wait3A_656 = arith.constant 0 : i32
      %dma_wait3A_657 = arith.constant 0 : i32
      %dma_wait3A_658 = tpu.memref_slice %arg5[%dma_wait3A_656, %dma_wait3A_657] : memref<16x1000000xf32, #tpu.memory_space<hbm>> -> memref<16x2048xf32, #tpu.memory_space<hbm>>
      %dma_wait3A_659 = arith.constant 0 : i32
      %dma_wait3A_660 = arith.constant 0 : i32
      %dma_wait3A_661 = tpu.memref_slice %arg5[%dma_wait3A_659, %dma_wait3A_660] : memref<16x1000000xf32, #tpu.memory_space<hbm>> -> memref<16x2048xf32, #tpu.memory_space<hbm>>
      tpu.wait_dma2 semaphore(%arg12 : memref<!tpu.dma_semaphore, #tpu.memory_space<semaphore_mem>>) src(%dma_wait3A_661 : memref<16x2048xf32, #tpu.memory_space<hbm>>) dst(%arg10 : memref<16x16x128xf32, #tpu.memory_space<vmem>>)
      %mul3A_662 = arith.constant 16 : i32
      %mul3A_663 = arith.muli %scan3A_8, %mul3A_662 : i32
      %get3A_664 = arith.index_cast %mul3A_663 : i32 to index
      %get3A_665 = tpu.vector_load %arg7[%get3A_664] {strides = array<i32>} : memref<512xi32, #tpu.memory_space<vmem>>, vector<16xi32>,
      %and3A = arith.constant 127 : i32
      %and3A_666 = vector.broadcast %and3A : i32 to vector<16xi32>
      %and3A_667 = arith.andi %get3A_665, %and3A_666 : vector<16xi32>
      %mul3A_668 = arith.constant 16 : i32
      %mul3A_669 = arith.muli %scan3A_8, %mul3A_668 : i32
      %get3A_670 = arith.index_cast %mul3A_669 : i32 to index
      %get3A_671 = tpu.vector_load %arg8[%get3A_670] {strides = array<i32>} : memref<512xi32, #tpu.memory_space<vmem>>, vector<16xi32>,
      %and3A_672 = arith.constant 127 : i32
      %and3A_673 = vector.broadcast %and3A_672 : i32 to vector<16xi32>
      %and3A_674 = arith.andi %get3A_671, %and3A_673 : vector<16xi32>
      %broadcast_in_dim3A = arith.constant 0.000000e+00 : f32
      %broadcast_in_dim3A_675 = vector.broadcast %broadcast_in_dim3A : f32 to vector<16xf32>
      %add3A_676 = arith.constant 0 : i32
      %add3A_677 = vector.broadcast %add3A_676 : i32 to vector<16xi32>
      %add3A_678 = arith.addi %iota3A, %add3A_677 : vector<16xi32>
      %and3A_679 = arith.constant 15 : i32
      %and3A_680 = vector.broadcast %and3A_679 : i32 to vector<16xi32>
      %and3A_681 = arith.andi %add3A_678, %and3A_680 : vector<16xi32>
      %gather3A = tpu.vector_load_idx %arg9[%iota3A, %and3A_681, %and3A_667] : memref<16x16x128xf32, #tpu.memory_space<vmem>>[vector<16xi32>, vector<16xi32>, vector<16xi32>], vector<16xf32>,
      %gather3A_682 = tpu.vector_load_idx %arg10[%iota3A, %and3A_681, %and3A_674] : memref<16x16x128xf32, #tpu.memory_space<vmem>>[vector<16xi32>, vector<16xi32>, vector<16xi32>], vector<16xf32>,
      %mul3A_683 = arith.mulf %gather3A, %gather3A_682 : vector<16xf32>
      %add3A_684 = arith.addf %broadcast_in_dim3A_675, %mul3A_683 : vector<16xf32>
      %add3A_685 = arith.constant 1 : i32
      %add3A_686 = vector.broadcast %add3A_685 : i32 to vector<16xi32>
      %add3A_687 = arith.addi %iota3A, %add3A_686 : vector<16xi32>
      %and3A_688 = arith.constant 15 : i32
      %and3A_689 = vector.broadcast %and3A_688 : i32 to vector<16xi32>
      %and3A_690 = arith.andi %add3A_687, %and3A_689 : vector<16xi32>
      %gather3A_691 = tpu.vector_load_idx %arg9[%iota3A, %and3A_690, %and3A_667] : memref<16x16x128xf32, #tpu.memory_space<vmem>>[vector<16xi32>, vector<16xi32>, vector<16xi32>], vector<16xf32>,
      %gather3A_692 = tpu.vector_load_idx %arg10[%iota3A, %and3A_690, %and3A_674] : memref<16x16x128xf32, #tpu.memory_space<vmem>>[vector<16xi32>, vector<16xi32>, vector<16xi32>], vector<16xf32>,
      %mul3A_693 = arith.mulf %gather3A_691, %gather3A_692 : vector<16xf32>
      %add3A_694 = arith.addf %add3A_684, %mul3A_693 : vector<16xf32>
      %add3A_695 = arith.constant 2 : i32
      %add3A_696 = vector.broadcast %add3A_695 : i32 to vector<16xi32>
      %add3A_697 = arith.addi %iota3A, %add3A_696 : vector<16xi32>
      %and3A_698 = arith.constant 15 : i32
      %and3A_699 = vector.broadcast %and3A_698 : i32 to vector<16xi32>
      %and3A_700 = arith.andi %add3A_697, %and3A_699 : vector<16xi32>
      %gather3A_701 = tpu.vector_load_idx %arg9[%iota3A, %and3A_700, %and3A_667] : memref<16x16x128xf32, #tpu.memory_space<vmem>>[vector<16xi32>, vector<16xi32>, vector<16xi32>], vector<16xf32>,
      %gather3A_702 = tpu.vector_load_idx %arg10[%iota3A, %and3A_700, %and3A_674] : memref<16x16x128xf32, #tpu.memory_space<vmem>>[vector<16xi32>, vector<16xi32>, vector<16xi32>], vector<16xf32>,
      %mul3A_703 = arith.mulf %gather3A_701, %gather3A_702 : vector<16xf32>
      %add3A_704 = arith.addf %add3A_694, %mul3A_703 : vector<16xf32>
      %add3A_705 = arith.constant 3 : i32
      %add3A_706 = vector.broadcast %add3A_705 : i32 to vector<16xi32>
      %add3A_707 = arith.addi %iota3A, %add3A_706 : vector<16xi32>
      %and3A_708 = arith.constant 15 : i32
      %and3A_709 = vector.broadcast %and3A_708 : i32 to vector<16xi32>
      %and3A_710 = arith.andi %add3A_707, %and3A_709 : vector<16xi32>
      %gather3A_711 = tpu.vector_load_idx %arg9[%iota3A, %and3A_710, %and3A_667] : memref<16x16x128xf32, #tpu.memory_space<vmem>>[vector<16xi32>, vector<16xi32>, vector<16xi32>], vector<16xf32>,
      %gather3A_712 = tpu.vector_load_idx %arg10[%iota3A, %and3A_710, %and3A_674] : memref<16x16x128xf32, #tpu.memory_space<vmem>>[vector<16xi32>, vector<16xi32>, vector<16xi32>], vector<16xf32>,
      %mul3A_713 = arith.mulf %gather3A_711, %gather3A_712 : vector<16xf32>
      %add3A_714 = arith.addf %add3A_704, %mul3A_713 : vector<16xf32>
      %add3A_715 = arith.constant 4 : i32
      %add3A_716 = vector.broadcast %add3A_715 : i32 to vector<16xi32>
      %add3A_717 = arith.addi %iota3A, %add3A_716 : vector<16xi32>
      %and3A_718 = arith.constant 15 : i32
      %and3A_719 = vector.broadcast %and3A_718 : i32 to vector<16xi32>
      %and3A_720 = arith.andi %add3A_717, %and3A_719 : vector<16xi32>
      %gather3A_721 = tpu.vector_load_idx %arg9[%iota3A, %and3A_720, %and3A_667] : memref<16x16x128xf32, #tpu.memory_space<vmem>>[vector<16xi32>, vector<16xi32>, vector<16xi32>], vector<16xf32>,
      %gather3A_722 = tpu.vector_load_idx %arg10[%iota3A, %and3A_720, %and3A_674] : memref<16x16x128xf32, #tpu.memory_space<vmem>>[vector<16xi32>, vector<16xi32>, vector<16xi32>], vector<16xf32>,
      %mul3A_723 = arith.mulf %gather3A_721, %gather3A_722 : vector<16xf32>
      %add3A_724 = arith.addf %add3A_714, %mul3A_723 : vector<16xf32>
      %add3A_725 = arith.constant 5 : i32
      %add3A_726 = vector.broadcast %add3A_725 : i32 to vector<16xi32>
      %add3A_727 = arith.addi %iota3A, %add3A_726 : vector<16xi32>
      %and3A_728 = arith.constant 15 : i32
      %and3A_729 = vector.broadcast %and3A_728 : i32 to vector<16xi32>
      %and3A_730 = arith.andi %add3A_727, %and3A_729 : vector<16xi32>
      %gather3A_731 = tpu.vector_load_idx %arg9[%iota3A, %and3A_730, %and3A_667] : memref<16x16x128xf32, #tpu.memory_space<vmem>>[vector<16xi32>, vector<16xi32>, vector<16xi32>], vector<16xf32>,
      %gather3A_732 = tpu.vector_load_idx %arg10[%iota3A, %and3A_730, %and3A_674] : memref<16x16x128xf32, #tpu.memory_space<vmem>>[vector<16xi32>, vector<16xi32>, vector<16xi32>], vector<16xf32>,
      %mul3A_733 = arith.mulf %gather3A_731, %gather3A_732 : vector<16xf32>
      %add3A_734 = arith.addf %add3A_724, %mul3A_733 : vector<16xf32>
      %add3A_735 = arith.constant 6 : i32
      %add3A_736 = vector.broadcast %add3A_735 : i32 to vector<16xi32>
      %add3A_737 = arith.addi %iota3A, %add3A_736 : vector<16xi32>
      %and3A_738 = arith.constant 15 : i32
      %and3A_739 = vector.broadcast %and3A_738 : i32 to vector<16xi32>
      %and3A_740 = arith.andi %add3A_737, %and3A_739 : vector<16xi32>
      %gather3A_741 = tpu.vector_load_idx %arg9[%iota3A, %and3A_740, %and3A_667] : memref<16x16x128xf32, #tpu.memory_space<vmem>>[vector<16xi32>, vector<16xi32>, vector<16xi32>], vector<16xf32>,
      %gather3A_742 = tpu.vector_load_idx %arg10[%iota3A, %and3A_740, %and3A_674] : memref<16x16x128xf32, #tpu.memory_space<vmem>>[vector<16xi32>, vector<16xi32>, vector<16xi32>], vector<16xf32>,
      %mul3A_743 = arith.mulf %gather3A_741, %gather3A_742 : vector<16xf32>
      %add3A_744 = arith.addf %add3A_734, %mul3A_743 : vector<16xf32>
      %add3A_745 = arith.constant 7 : i32
      %add3A_746 = vector.broadcast %add3A_745 : i32 to vector<16xi32>
      %add3A_747 = arith.addi %iota3A, %add3A_746 : vector<16xi32>
      %and3A_748 = arith.constant 15 : i32
      %and3A_749 = vector.broadcast %and3A_748 : i32 to vector<16xi32>
      %and3A_750 = arith.andi %add3A_747, %and3A_749 : vector<16xi32>
      %gather3A_751 = tpu.vector_load_idx %arg9[%iota3A, %and3A_750, %and3A_667] : memref<16x16x128xf32, #tpu.memory_space<vmem>>[vector<16xi32>, vector<16xi32>, vector<16xi32>], vector<16xf32>,
      %gather3A_752 = tpu.vector_load_idx %arg10[%iota3A, %and3A_750, %and3A_674] : memref<16x16x128xf32, #tpu.memory_space<vmem>>[vector<16xi32>, vector<16xi32>, vector<16xi32>], vector<16xf32>,
      %mul3A_753 = arith.mulf %gather3A_751, %gather3A_752 : vector<16xf32>
      %add3A_754 = arith.addf %add3A_744, %mul3A_753 : vector<16xf32>
      %add3A_755 = arith.constant 8 : i32
      %add3A_756 = vector.broadcast %add3A_755 : i32 to vector<16xi32>
      %add3A_757 = arith.addi %iota3A, %add3A_756 : vector<16xi32>
      %and3A_758 = arith.constant 15 : i32
      %and3A_759 = vector.broadcast %and3A_758 : i32 to vector<16xi32>
      %and3A_760 = arith.andi %add3A_757, %and3A_759 : vector<16xi32>
      %gather3A_761 = tpu.vector_load_idx %arg9[%iota3A, %and3A_760, %and3A_667] : memref<16x16x128xf32, #tpu.memory_space<vmem>>[vector<16xi32>, vector<16xi32>, vector<16xi32>], vector<16xf32>,
      %gather3A_762 = tpu.vector_load_idx %arg10[%iota3A, %and3A_760, %and3A_674] : memref<16x16x128xf32, #tpu.memory_space<vmem>>[vector<16xi32>, vector<16xi32>, vector<16xi32>], vector<16xf32>,
      %mul3A_763 = arith.mulf %gather3A_761, %gather3A_762 : vector<16xf32>
      %add3A_764 = arith.addf %add3A_754, %mul3A_763 : vector<16xf32>
      %add3A_765 = arith.constant 9 : i32
      %add3A_766 = vector.broadcast %add3A_765 : i32 to vector<16xi32>
      %add3A_767 = arith.addi %iota3A, %add3A_766 : vector<16xi32>
      %and3A_768 = arith.constant 15 : i32
      %and3A_769 = vector.broadcast %and3A_768 : i32 to vector<16xi32>
      %and3A_770 = arith.andi %add3A_767, %and3A_769 : vector<16xi32>
      %gather3A_771 = tpu.vector_load_idx %arg9[%iota3A, %and3A_770, %and3A_667] : memref<16x16x128xf32, #tpu.memory_space<vmem>>[vector<16xi32>, vector<16xi32>, vector<16xi32>], vector<16xf32>,
      %gather3A_772 = tpu.vector_load_idx %arg10[%iota3A, %and3A_770, %and3A_674] : memref<16x16x128xf32, #tpu.memory_space<vmem>>[vector<16xi32>, vector<16xi32>, vector<16xi32>], vector<16xf32>,
      %mul3A_773 = arith.mulf %gather3A_771, %gather3A_772 : vector<16xf32>
      %add3A_774 = arith.addf %add3A_764, %mul3A_773 : vector<16xf32>
      %add3A_775 = arith.constant 10 : i32
      %add3A_776 = vector.broadcast %add3A_775 : i32 to vector<16xi32>
      %add3A_777 = arith.addi %iota3A, %add3A_776 : vector<16xi32>
      %and3A_778 = arith.constant 15 : i32
      %and3A_779 = vector.broadcast %and3A_778 : i32 to vector<16xi32>
      %and3A_780 = arith.andi %add3A_777, %and3A_779 : vector<16xi32>
      %gather3A_781 = tpu.vector_load_idx %arg9[%iota3A, %and3A_780, %and3A_667] : memref<16x16x128xf32, #tpu.memory_space<vmem>>[vector<16xi32>, vector<16xi32>, vector<16xi32>], vector<16xf32>,
      %gather3A_782 = tpu.vector_load_idx %arg10[%iota3A, %and3A_780, %and3A_674] : memref<16x16x128xf32, #tpu.memory_space<vmem>>[vector<16xi32>, vector<16xi32>, vector<16xi32>], vector<16xf32>,
      %mul3A_783 = arith.mulf %gather3A_781, %gather3A_782 : vector<16xf32>
      %add3A_784 = arith.addf %add3A_774, %mul3A_783 : vector<16xf32>
      %add3A_785 = arith.constant 11 : i32
      %add3A_786 = vector.broadcast %add3A_785 : i32 to vector<16xi32>
      %add3A_787 = arith.addi %iota3A, %add3A_786 : vector<16xi32>
      %and3A_788 = arith.constant 15 : i32
      %and3A_789 = vector.broadcast %and3A_788 : i32 to vector<16xi32>
      %and3A_790 = arith.andi %add3A_787, %and3A_789 : vector<16xi32>
      %gather3A_791 = tpu.vector_load_idx %arg9[%iota3A, %and3A_790, %and3A_667] : memref<16x16x128xf32, #tpu.memory_space<vmem>>[vector<16xi32>, vector<16xi32>, vector<16xi32>], vector<16xf32>,
      %gather3A_792 = tpu.vector_load_idx %arg10[%iota3A, %and3A_790, %and3A_674] : memref<16x16x128xf32, #tpu.memory_space<vmem>>[vector<16xi32>, vector<16xi32>, vector<16xi32>], vector<16xf32>,
      %mul3A_793 = arith.mulf %gather3A_791, %gather3A_792 : vector<16xf32>
      %add3A_794 = arith.addf %add3A_784, %mul3A_793 : vector<16xf32>
      %add3A_795 = arith.constant 12 : i32
      %add3A_796 = vector.broadcast %add3A_795 : i32 to vector<16xi32>
      %add3A_797 = arith.addi %iota3A, %add3A_796 : vector<16xi32>
      %and3A_798 = arith.constant 15 : i32
      %and3A_799 = vector.broadcast %and3A_798 : i32 to vector<16xi32>
      %and3A_800 = arith.andi %add3A_797, %and3A_799 : vector<16xi32>
      %gather3A_801 = tpu.vector_load_idx %arg9[%iota3A, %and3A_800, %and3A_667] : memref<16x16x128xf32, #tpu.memory_space<vmem>>[vector<16xi32>, vector<16xi32>, vector<16xi32>], vector<16xf32>,
      %gather3A_802 = tpu.vector_load_idx %arg10[%iota3A, %and3A_800, %and3A_674] : memref<16x16x128xf32, #tpu.memory_space<vmem>>[vector<16xi32>, vector<16xi32>, vector<16xi32>], vector<16xf32>,
      %mul3A_803 = arith.mulf %gather3A_801, %gather3A_802 : vector<16xf32>
      %add3A_804 = arith.addf %add3A_794, %mul3A_803 : vector<16xf32>
      %add3A_805 = arith.constant 13 : i32
      %add3A_806 = vector.broadcast %add3A_805 : i32 to vector<16xi32>
      %add3A_807 = arith.addi %iota3A, %add3A_806 : vector<16xi32>
      %and3A_808 = arith.constant 15 : i32
      %and3A_809 = vector.broadcast %and3A_808 : i32 to vector<16xi32>
      %and3A_810 = arith.andi %add3A_807, %and3A_809 : vector<16xi32>
      %gather3A_811 = tpu.vector_load_idx %arg9[%iota3A, %and3A_810, %and3A_667] : memref<16x16x128xf32, #tpu.memory_space<vmem>>[vector<16xi32>, vector<16xi32>, vector<16xi32>], vector<16xf32>,
      %gather3A_812 = tpu.vector_load_idx %arg10[%iota3A, %and3A_810, %and3A_674] : memref<16x16x128xf32, #tpu.memory_space<vmem>>[vector<16xi32>, vector<16xi32>, vector<16xi32>], vector<16xf32>,
      %mul3A_813 = arith.mulf %gather3A_811, %gather3A_812 : vector<16xf32>
      %add3A_814 = arith.addf %add3A_804, %mul3A_813 : vector<16xf32>
      %add3A_815 = arith.constant 14 : i32
      %add3A_816 = vector.broadcast %add3A_815 : i32 to vector<16xi32>
      %add3A_817 = arith.addi %iota3A, %add3A_816 : vector<16xi32>
      %and3A_818 = arith.constant 15 : i32
      %and3A_819 = vector.broadcast %and3A_818 : i32 to vector<16xi32>
      %and3A_820 = arith.andi %add3A_817, %and3A_819 : vector<16xi32>
      %gather3A_821 = tpu.vector_load_idx %arg9[%iota3A, %and3A_820, %and3A_667] : memref<16x16x128xf32, #tpu.memory_space<vmem>>[vector<16xi32>, vector<16xi32>, vector<16xi32>], vector<16xf32>,
      %gather3A_822 = tpu.vector_load_idx %arg10[%iota3A, %and3A_820, %and3A_674] : memref<16x16x128xf32, #tpu.memory_space<vmem>>[vector<16xi32>, vector<16xi32>, vector<16xi32>], vector<16xf32>,
      %mul3A_823 = arith.mulf %gather3A_821, %gather3A_822 : vector<16xf32>
      %add3A_824 = arith.addf %add3A_814, %mul3A_823 : vector<16xf32>
      %add3A_825 = arith.constant 15 : i32
      %add3A_826 = vector.broadcast %add3A_825 : i32 to vector<16xi32>
      %add3A_827 = arith.addi %iota3A, %add3A_826 : vector<16xi32>
      %and3A_828 = arith.constant 15 : i32
      %and3A_829 = vector.broadcast %and3A_828 : i32 to vector<16xi32>
      %and3A_830 = arith.andi %add3A_827, %and3A_829 : vector<16xi32>
      %gather3A_831 = tpu.vector_load_idx %arg9[%iota3A, %and3A_830, %and3A_667] : memref<16x16x128xf32, #tpu.memory_space<vmem>>[vector<16xi32>, vector<16xi32>, vector<16xi32>], vector<16xf32>,
      %gather3A_832 = tpu.vector_load_idx %arg10[%iota3A, %and3A_830, %and3A_674] : memref<16x16x128xf32, #tpu.memory_space<vmem>>[vector<16xi32>, vector<16xi32>, vector<16xi32>], vector<16xf32>,
      %mul3A_833 = arith.mulf %gather3A_831, %gather3A_832 : vector<16xf32>
      %add3A_834 = arith.addf %add3A_824, %mul3A_833 : vector<16xf32>
      %mul3A_835 = arith.constant 16 : i32
      %mul3A_836 = arith.muli %scan3A_8, %mul3A_835 : i32
      %swap3A = arith.index_cast %mul3A_836 : i32 to index
      %swap3A_837 = tpu.vector_load %arg11[%swap3A] {strides = array<i32>} : memref<512xf32, #tpu.memory_space<vmem>>, vector<16xf32>,
      tpu.vector_store %arg11[%swap3A], %add3A_834 {strides = array<i32>} : memref<512xf32, #tpu.memory_space<vmem>>, vector<16xf32>,
    }
    %scan3A_7 = arith.constant 32 : i32
    "tpu.region"() ({
      %run_scoped3A = tpu.sem_alloc : memref<!tpu.dma_semaphore, #tpu.memory_space<semaphore_mem>>
      %dma_start3A = tpu.memref_slice %arg6[%mul3A_2] : memref<16384xf32, #tpu.memory_space<hbm>> -> memref<512xf32, #tpu.memory_space<hbm>>
      %dma_start3A_8 = tpu.memref_slice %arg6[%mul3A_2] : memref<16384xf32, #tpu.memory_space<hbm>> -> memref<512xf32, #tpu.memory_space<hbm>>
      tpu.enqueue_dma source(%arg11 : memref<512xf32, #tpu.memory_space<vmem>>) target(%dma_start3A_8 : memref<512xf32, #tpu.memory_space<hbm>>) target_semaphore(%run_scoped3A : memref<!tpu.dma_semaphore, #tpu.memory_space<semaphore_mem>>)
      %dma_wait3A = tpu.memref_slice %arg6[%mul3A_2] : memref<16384xf32, #tpu.memory_space<hbm>> -> memref<512xf32, #tpu.memory_space<hbm>>
      %dma_wait3A_9 = tpu.memref_slice %arg6[%mul3A_2] : memref<16384xf32, #tpu.memory_space<hbm>> -> memref<512xf32, #tpu.memory_space<hbm>>
      tpu.wait_dma2 semaphore(%run_scoped3A : memref<!tpu.dma_semaphore, #tpu.memory_space<semaphore_mem>>) src(%arg11 : memref<512xf32, #tpu.memory_space<vmem>>) dst(%dma_wait3A_9 : memref<512xf32, #tpu.memory_space<hbm>>)
      tpu.yield
    }) : () -> ()
    return
  }
}

</mosaic_0001>

<sc_bundles>
// kernel: kernel.3.cloned.1.call-start
scs
__scs_entry_jumppad:
0x0: {  	(pc) =	sbr.rel $0x88, $3  }
0x1: {  	(tag) =	ssettag $0x0;
	lr =	simm.s32 $0x1  }
0x2: {  	[smem:$0x3F9D] =	sst lr;
	_ =	strace $0xD0000000  }
0x3: {  	_ = 	snop  }
0x4: {  	_ = 	snop  }
0x5: {  	_ = 	snop  }
0x6: {  	_ = 	snop  }
0x7: {  	_ = 	snop  }
__scs_overlays_trampoline_lowered:
0x8: {  	[smem:$0x3FAC] =	sst s0  }
0x9: {  	[smem:$0x3FAD] =	sst s1  }
0xa: {  	[smem:$0x3FAE] =	sst s2  }
0xb: {  	[smem:$0x3FAF] =	sst s3  }
0xc: {  	[smem:$0x3FB0] =	sst s4  }
0xd: {  	[smem:$0x3FB1] =	sst s5  }
0xe: {  	[smem:$0x3FB2] =	sst s6  }
0xf: {  	[smem:$0x3FB3] =	sst s7  }
0x10: {  	[smem:$0x3FB4] =	sst s8  }
0x11: {  	[smem:$0x3FB5] =	sst s9;
	s0 =	simm.s32 @!p0 $0x0  }
0x12: {  	s1 =	sld [smem:$0x3F9B];
	s0 =	simm.s32 @p0 $0x1  }
0x13: {  	[smem:$0x3FB6] =	sst s0;
	s0 =	simm.s32 @!p1 $0x0  }
0x14: {  	s2 =	sld [smem:$0x3F9A];
	s0 =	simm.s32 @p1 $0x1  }
0x15: {  	[smem:$0x3FB7] =	sst s0;
	s0 =	simm.s32 @!p2 $0x0  }
0x16: {  	s3 =	sld [smem:$0x3FDB];
	s0 =	simm.s32 @p2 $0x1  }
0x17: {  	s4 =	simm.s32 $0x1BF5;
	[smem:$0x3FB9] =	sst s0  }
0x18: {  	s0 =	sld [smem:$0x3F9C];
	_ =	swait.ge [sflag:s4], $0x0  }
0x19: {  	s7 =	sld [smem:$0x3F9D]  }
0x1a: {  	s8 =	sadd.s32 $0xFFFFE003, lr  }
0x1b: {  	s9 =	sadd.s32 $0xFFFFFEF7, lr;
	s5 =	simm.s32 $0xFFFFFFFF;
	p2 =	slt.u32 s8, $0xFFFFF086  }
0x1c: {  	p1 =	slt.u32 s9, $0xF7A;
	s5 =	simm.s32 @!p2 $0x0  }
0x1d: {  	s5 =	simm.s32 @p1 $0x1;
	p0 =	seq.s32 s7, s2  }
0x1e: {  	s7 =	smul.u32 @!p0 $0xF7A, s2;
	p2 =	seq.s32 @!p0 s5, $0x0  }
0x1f: {  	s9 =	smul.u32 $0xF7A, s1;
	s8 =	simm.s32 @!p0 $0x1BF5;
	p2 =	por !p2, p0  }
0x20: {  	[sflag:s8] =	ssyncset.s32 @!p0 $0xFFFFF086;
	s6 =	sadd.s32 @!p0 s3, s7;
	s7 =	simm.s32 @!p0 $0x108  }
0x21: {  	s3 =	sadd.s32 s3, s9;
	s6 =	sadd.s32 @!p0 $0x88, s6;
	s7 =	simm.s32 @p2 $0x1082  }
0x22: {  	[simem:s7], [sflag:s8] =	dma.local @!p0 [hbm:s6], $0xF7A  }
0x23: {  	s9 =	sor.u32 $0xD0000000, s2;
	s6 =	simm.s32 $0x108;
	_ =	swait.ge @!p0 [sflag:s8], $0x0  }
0x24: {  	s3 =	sadd.s32 $0x88, s3;
	s6 =	simm.s32 @!p1 $0x1082;
	[sflag:s4] =	ssyncset.s32 $0xFFFFF086  }
0x25: {  	[simem:s6], [sflag:s4] =	dma.local [hbm:s3], $0xF7A  }
0x26: {  	[smem:$0x3F9D] =	sst s1;
	(tag) =	ssettag s2;
	_ =	strace s9  }
0x27: {  	s1 =	sld [smem:$0x3FAD]  }
0x28: {  	s2 =	sld [smem:$0x3FAE]  }
0x29: {  	s4 =	sld [smem:$0x3FB0]  }
0x2a: {  	p0 =	seq.s32 s5, $0x0;
	s5 =	sld [smem:$0x3FB1]  }
0x2b: {  	s6 =	sld [smem:$0x3FB2]  }
0x2c: {  	s7 =	sld [smem:$0x3FB3]  }
0x2d: {  	s3 =	simm.s32 $0x108;
	s8 =	sld [smem:$0x3FB4]  }
0x2e: {  	s3 =	simm.s32 @!p0 $0x1082;
	s9 =	sld [smem:$0x3FB5]  }
0x2f: {  	lr =	sadd.s32 s0, s3;
	s0 =	sld [smem:$0x3FAC]  }
0x30: {  	s3 =	sld [smem:$0x3FAF]  }
0x31: {  	[smem:$0x3FB8] =	sst s10  }
0x32: {  	s10 =	sld [smem:$0x3FB6];
	_ =	sdelay $0x3  }
0x33: {  	p0 =	seq.s32 s10, $0x1;
	s10 =	sld [smem:$0x3FB8];
	_ =	sdelay $0x3  }
0x34: {  	[smem:$0x3FB8] =	sst s10  }
0x35: {  	s10 =	sld [smem:$0x3FB7];
	_ =	sdelay $0x3  }
0x36: {  	p1 =	seq.s32 s10, $0x1;
	s10 =	sld [smem:$0x3FB8];
	_ =	sdelay $0x3  }
0x37: {  	[smem:$0x3FB8] =	sst s10  }
0x38: {  	s10 =	sld [smem:$0x3FB9]  }
0x39: {  	_ = 	snop;
	(pc) =	sbr.ind lr, $3  }
0x3a: {  	_ = 	snop  }
0x3b: {  	_ = 	snop  }
0x3c: {  	p2 =	seq.s32 s10, $0x1;
	s10 =	sld [smem:$0x3FB8]  }
0x3d: {  	_ =	shalt  }
0x3e: {  	_ =	shalt  }
0x3f: {  	_ =	shalt  }
0x40: {  	_ =	shalt  }
0x41: {  	_ =	shalt  }
0x42: {  	_ =	shalt  }
0x43: {  	_ =	shalt  }
0x44: {  	_ =	shalt  }
0x45: {  	_ =	shalt  }
0x46: {  	_ =	shalt  }
0x47: {  	_ =	shalt  }
0x48: {  	_ =	shalt  }
0x49: {  	_ =	shalt  }
0x4a: {  	_ =	shalt  }
0x4b: {  	_ =	shalt  }
0x4c: {  	_ =	shalt  }
0x4d: {  	_ =	shalt  }
0x4e: {  	_ =	shalt  }
0x4f: {  	_ =	shalt  }
0x50: {  	_ =	shalt  }
0x51: {  	_ =	shalt  }
0x52: {  	_ =	shalt  }
0x53: {  	_ =	shalt  }
0x54: {  	_ =	shalt  }
0x55: {  	_ =	shalt  }
0x56: {  	_ =	shalt  }
0x57: {  	_ =	shalt  }
0x58: {  	_ =	shalt  }
0x59: {  	_ =	shalt  }
0x5a: {  	_ =	shalt  }
0x5b: {  	_ =	shalt  }
0x5c: {  	_ =	shalt  }
0x5d: {  	_ =	shalt  }
0x5e: {  	_ =	shalt  }
0x5f: {  	_ =	shalt  }
0x60: {  	_ =	shalt  }
0x61: {  	_ =	shalt  }
0x62: {  	_ =	shalt  }
0x63: {  	_ =	shalt  }
0x64: {  	_ =	shalt  }
0x65: {  	_ =	shalt  }
0x66: {  	_ =	shalt  }
0x67: {  	_ =	shalt  }
0x68: {  	_ =	shalt  }
0x69: {  	_ =	shalt  }
0x6a: {  	_ =	shalt  }
0x6b: {  	_ =	shalt  }
0x6c: {  	_ =	shalt  }
0x6d: {  	_ =	shalt  }
0x6e: {  	_ =	shalt  }
0x6f: {  	_ =	shalt  }
0x70: {  	_ =	shalt  }
0x71: {  	_ =	shalt  }
0x72: {  	_ =	shalt  }
0x73: {  	_ =	shalt  }
0x74: {  	_ =	shalt  }
0x75: {  	_ =	shalt  }
0x76: {  	_ =	shalt  }
0x77: {  	_ =	shalt  }
0x78: {  	_ =	shalt  }
0x79: {  	_ =	shalt  }
0x7a: {  	_ =	shalt  }
0x7b: {  	_ =	shalt  }
0x7c: {  	_ =	shalt  }
0x7d: {  	_ =	shalt  }
0x7e: {  	_ =	shalt  }
0x7f: {  	_ =	shalt  }
0x80: {  	_ =	shalt  }
0x81: {  	_ =	shalt  }
0x82: {  	_ =	shalt  }
0x83: {  	_ =	shalt  }
0x84: {  	_ =	shalt  }
0x85: {  	_ =	shalt  }
0x86: {  	_ =	shalt  }
0x87: {  	_ =	shalt  }
.Lfunc_end0:
.L_simem_size_0:
called_computation_lowered:
.L_overlay_start_0:
0x88: {  	s2 =	sld [smem:$0x3FD9]  }
0x89: {  	s3 =	sld [smem:$0x3FFE];
	_ =	sdelay $0x1  }
0x8a: {  	s1 =	srdreg.scid  }
0x8b: {  	s0 =	sand.u32 $0x1, s1  }
0x8c: {  	s18 =	sshll.u32 s0, $0xA;
	s2 =	sadd.s32 s3, s2  }
0x8d: {  	s2 =	sadd.s32 s2, s18  }
0x8e: {  	[smem:$0x3FC4] =	sst s2  }
0x8f: {  	_ = 	snop  }
0x90: {  	s2 =	sld [smem:$0x3FC9]  }
0x91: {  	s19 =	sld [smem:$0x3FC8]  }
0x92: {  	s4 =	sld [smem:$0x3FC7]  }
0x93: {  	s5 =	sld [smem:$0x3FC6]  }
0x94: {  	s6 =	sld [smem:$0x3FD0];
	(tm) =	ssettm $0x1  }
0x95: {  	s7 =	sld [smem:$0x3FFB];
	_ =	sdelay $0x3  }
0x96: {  	_ =	strace s7  }
0x97: {  	s7 =	sld [smem:$0x3FFC];
	_ =	sdelay $0x3  }
0x98: {  	_ =	strace s7  }
0x99: {  	s7 =	sld [smem:$0x3FFD];
	_ =	sdelay $0x3  }
0x9a: {  	_ =	strace s7  }
0x9b: {  	_ =	strace $0x8FFFFFFF  }
0x9c: {  	s20 =	sld [smem:$0x3FDB];
	_ =	sdelay $0x1  }
0x9d: {  	s8 =	simm.s32 $_scs_section_size  }
0x9e: {  	s9 =	simm.s32 $_size__tile_overlayer_lowered;
	s10 =	simm.s32 $_tile_overlayer_lowered  }
0x9f: {  	s23 =	simm.s32 $0x1BFF;
	s22 =	sshll.u32 s10, $0x1;
	s7 =	sadd.s32 s8, s20  }
0xa0: {  	s11 =	simm.s32 $0x0;
	s21 =	sshll.u32 s9, $0x1;
	s9 =	sadd.s32 s22, s7  }
0xa1: {  	[timem:s11], [sflag:s23] =	dma.local [hbm:s9], s21  }
0xa2: {  	_ =	swait.ge [sflag:s23], s21  }
0xa3: {  	s8 =	ssub.s32 $0x0, s21;
	[sflag:s23] =	ssyncset.done $0x0  }
0xa4: {  	[sflag:s23] =	ssyncadd.s32 s8;
	_ =	sdelay $0x1  }
0xa5: {  	s24 =	simm.s32 $0x1B8B  }
0xa6: {  	_ =	swait.ge [sflag:s24], $0x1  }
0xa7: {  	[sflag:s24] =	ssyncset.done $0x0  }
0xa8: {  	s25 =	simm.s32 $0x1B8E;
	[sflag:s24] =	ssyncadd.s32 $0xFFFFFFFF  }
0xa9: {  	s26 =	simm.s32 $execute0_lowered;
	[smem:$0x3FD2] =	sst s25  }
0xaa: {  	s8 =	sshll.u32 s26, $0x1;
	_ =	strace $0x80000046;
	[dreg:$0x1] =	wrdreg $0xFFFFFFFF  }
0xab: {  	s28 =	simm.s32 $_size_execute0_lowered;
	s7 =	sadd.s32 s7, s8;
	[dreg:$0x0] =	wrdreg $0x0  }
0xac: {  	s8 =	sshll.u32 s28, $0x1;
	[dreg:$0x2] =	wrdreg s7  }
0xad: {  	[dreg:$0x3] =	wrdreg s8  }
0xae: {  	[dreg:$0x4] =	wrdreg $0xC0  }
0xaf: {  	_ =	task [dreg:s11], $0x5FFFF  }
0xb0: {  	[dreg:$0x1] =	wrdreg $0xFFFFFFFF  }
0xb1: {  	[dreg:$0x0] =	wrdreg $0x60  }
0xb2: {  	[dreg:$0x2] =	wrdreg s2  }
0xb3: {  	[dreg:$0x3] =	wrdreg s19  }
0xb4: {  	[dreg:$0x4] =	wrdreg s4  }
0xb5: {  	[dreg:$0x5] =	wrdreg s5  }
0xb6: {  	[dreg:$0x6] =	wrdreg s6  }
0xb7: {  	[dreg:$0x7] =	wrdreg $0x9  }
0xb8: {  	_ =	task.clear_ibuf [dreg:s11], $0x8FFFF;
	_ =	strace $0x90000046  }
0xb9: {  	s29 =	simm.s32 $0x9;
	_ =	strace $0x80000048  }
0xba: {  	_ =	swait.ge [sflag:s29], $0x1  }
0xbb: {  	[sflag:s29] =	ssyncadd.s32 $0xFFFFFFFF  }
0xbc: {  	_ =	strace $0x90000048  }
0xbd: {  	_ =	sfence  }
0xbe: {  	s30 =	sld [smem:$0x0];
	_ =	sdelay $0x2  }
0xbf: {  	s31 =	sshll.u32 s1, $0xD;
	s1 =	sshrl.u32 s1, $0x2  }
0xc0: {  	s3 =	sand.u32 $0x4000, s31;
	s1 =	sadd.s32 s1, s30  }
0xc1: {  	s0 =	sor.u32 s3, s0;
	s1 =	sshll.u32 s1, $0x11  }
0xc2: {  	s0 =	sor.u32 s1, s0  }
0xc3: {  	s0 =	sadd.s32 $0x8F2B, s0  }
0xc4: {  	[sflag:s0] =	ssyncadd.remote.s32 $0x1  }
0xc5: {  	_ =	sfence.sel $0xFFFF  }
0xc6: {  	[dreg:$0x0] =	wrdreg $0xFFFFFFFF;
	(pc) =	sbr.abs _section_cstart, $3  }
0xc7: {  	[dreg:$0x1] =	wrdreg $0xFFFFFFFF  }
0xc8: {  	_ =	task.clear_ibuf [dreg:s11], $0x2FFFF;
	_ =	strace $0x9FFFFFFF  }
0xc9: {  	(tm) =	ssettm $0x7FFFFFFF  }
tec
execute0_lowered:
.L_overlay_start_1:
0x0: {  	(tag) =	ssettag $0x1  }
0x1: {  	v0 =	vimm.s32 $0x7800;
	vm14 =	vcmask $0x300  }
0x2: {  	vm13 =	vcmask $0x704;
	vm12 =	vcmask $0xB08;
	vm11 =	vcmask $0xF0C  }
0x3: {  	vm10 =	vcmask $0x1310;
	vm9 =	vcmask $0x1714;
	v1 =	vlaneseq.u32  }
0x4: {  	vm8 =	vcmask $0x1B18;
	vm0 =	vcmask $0x1F1C;
	v3 =	vimm.s32 $0x7900  }
0x5: {  	vm1 =	vcmask $0x2320;
	vm2 =	vcmask $0x2724;
	vm3 =	vcmask $0x2B28  }
0x6: {  	vm4 =	vcmask $0x2F2C;
	vm5 =	vcmask $0x3330;
	vm6 =	vcmask $0x3734  }
0x7: {  	vm7 =	vcmask $0x3B38;
	v4 =	vimm.s32 $0x7980;
	v5 =	vimm.s32 $0x7A00  }
0x8: {  	v6 =	vimm.s32 $0x7A80;
	v7 =	vimm.s32 $0x7B00;
	v8 =	vimm.s32 $0x7B80  }
0x9: {  	v9 =	vimm.s32 $0x7C00;
	v10 =	vimm.s32 $0x7C80;
	v11 =	vimm.s32 $0x7D00  }
0xa: {  	v12 =	vimm.s32 $0x7D80;
	v13 =	vimm.s32 $0x7E00;
	v14 =	vimm.s32 $0x7E80  }
0xb: {  	v15 =	vimm.s32 $0x7F00;
	v0 =	vsel vm14, $0x80, v0;
	v3 =	vsel vm14, $0x180, v3  }
0xc: {  	v4 =	vsel vm14, $0x200, v4;
	v5 =	vsel vm14, $0x280, v5;
	v6 =	vsel vm14, $0x300, v6  }
0xd: {  	v7 =	vsel vm14, $0x380, v7;
	v8 =	vsel vm14, $0x400, v8;
	v9 =	vsel vm14, $0x480, v9  }
0xe: {  	v10 =	vsel vm14, $0x500, v10;
	v11 =	vsel vm14, $0x580, v11;
	v12 =	vsel vm14, $0x600, v12  }
0xf: {  	v13 =	vsel vm14, $0x680, v13;
	v14 =	vsel vm14, $0x700, v14;
	v15 =	vsel vm14, $0x780, v15  }
0x10: {  	v0 =	vsel vm13, $0x900, v0;
	v3 =	vsel vm13, $0xA00, v3;
	v4 =	vsel vm13, $0xA80, v4  }
0x11: {  	v5 =	vsel vm13, $0xB00, v5;
	v6 =	vsel vm13, $0xB80, v6;
	v7 =	vsel vm13, $0xC00, v7  }
0x12: {  	v8 =	vsel vm13, $0xC80, v8;
	v9 =	vsel vm13, $0xD00, v9;
	v10 =	vsel vm13, $0xD80, v10  }
0x13: {  	v11 =	vsel vm13, $0xE00, v11;
	v12 =	vsel vm13, $0xE80, v12;
	v13 =	vsel vm13, $0xF00, v13  }
0x14: {  	v14 =	vsel vm13, $0xF80, v14;
	v15 =	vsel vm13, $0x800, v15;
	v0 =	vsel vm12, $0x1180, v0  }
0x15: {  	v3 =	vsel vm12, $0x1280, v3;
	v4 =	vsel vm12, $0x1300, v4;
	v5 =	vsel vm12, $0x1380, v5  }
0x16: {  	v6 =	vsel vm12, $0x1400, v6;
	v7 =	vsel vm12, $0x1480, v7;
	v8 =	vsel vm12, $0x1500, v8  }
0x17: {  	v9 =	vsel vm12, $0x1580, v9;
	v10 =	vsel vm12, $0x1600, v10;
	v11 =	vsel vm12, $0x1680, v11  }
0x18: {  	v12 =	vsel vm12, $0x1700, v12;
	v13 =	vsel vm12, $0x1780, v13;
	v14 =	vsel vm12, $0x1000, v14  }
0x19: {  	v15 =	vsel vm12, $0x1080, v15;
	v0 =	vsel vm11, $0x1A00, v0;
	v3 =	vsel vm11, $0x1B00, v3  }
0x1a: {  	v4 =	vsel vm11, $0x1B80, v4;
	v5 =	vsel vm11, $0x1C00, v5;
	v6 =	vsel vm11, $0x1C80, v6  }
0x1b: {  	v7 =	vsel vm11, $0x1D00, v7;
	v8 =	vsel vm11, $0x1D80, v8;
	v9 =	vsel vm11, $0x1E00, v9  }
0x1c: {  	v10 =	vsel vm11, $0x1E80, v10;
	v11 =	vsel vm11, $0x1F00, v11;
	v12 =	vsel vm11, $0x1F80, v12  }
0x1d: {  	v13 =	vsel vm11, $0x1800, v13;
	v14 =	vsel vm11, $0x1880, v14;
	v15 =	vsel vm11, $0x1900, v15  }
0x1e: {  	v0 =	vsel vm10, $0x2280, v0;
	v3 =	vsel vm10, $0x2380, v3;
	v4 =	vsel vm10, $0x2400, v4  }
0x1f: {  	v5 =	vsel vm10, $0x2480, v5;
	v6 =	vsel vm10, $0x2500, v6;
	v7 =	vsel vm10, $0x2580, v7  }
0x20: {  	v8 =	vsel vm10, $0x2600, v8;
	v9 =	vsel vm10, $0x2680, v9;
	v10 =	vsel vm10, $0x2700, v10  }
0x21: {  	v11 =	vsel vm10, $0x2780, v11;
	v12 =	vsel vm10, $0x2000, v12;
	v13 =	vsel vm10, $0x2080, v13  }
0x22: {  	v14 =	vsel vm10, $0x2100, v14;
	v15 =	vsel vm10, $0x2180, v15;
	v2 =	vsel vm9, $0x2B00, v0  }
0x23: {  	v0 =	vmul.u32 $0x880, v1;
	v3 =	vsel vm9, $0x2C00, v3;
	v4 =	vsel vm9, $0x2C80, v4  }
0x24: {  	v5 =	vsel vm9, $0x2D00, v5;
	v6 =	vsel vm9, $0x2D80, v6;
	v7 =	vsel vm9, $0x2E00, v7  }
0x25: {  	v8 =	vsel vm9, $0x2E80, v8;
	v9 =	vsel vm9, $0x2F00, v9;
	v10 =	vsel vm9, $0x2F80, v10  }
0x26: {  	v11 =	vsel vm9, $0x2800, v11;
	v12 =	vsel vm9, $0x2880, v12;
	v13 =	vsel vm9, $0x2900, v13  }
0x27: {  	v14 =	vsel vm9, $0x2980, v14;
	v15 =	vsel vm9, $0x2A00, v15;
	v1 =	vsel vm8, $0x3380, v2  }
0x28: {  	v2 =	vimm.s32 $0x7880;
	v3 =	vsel vm8, $0x3480, v3;
	v4 =	vsel vm8, $0x3500, v4  }
0x29: {  	v5 =	vsel vm8, $0x3580, v5;
	v6 =	vsel vm8, $0x3600, v6;
	v7 =	vsel vm8, $0x3680, v7  }
0x2a: {  	v8 =	vsel vm8, $0x3700, v8;
	v9 =	vsel vm8, $0x3780, v9;
	v10 =	vsel vm8, $0x3000, v10  }
0x2b: {  	v11 =	vsel vm8, $0x3080, v11;
	v12 =	vsel vm8, $0x3100, v12;
	v13 =	vsel vm8, $0x3180, v13  }
0x2c: {  	v14 =	vsel vm8, $0x3200, v14;
	v15 =	vsel vm8, $0x3280, v15;
	v1 =	vsel vm0, $0x3C00, v1  }
0x2d: {  	v2 =	vsel vm14, $0x100, v2;
	v3 =	vsel vm0, $0x3D00, v3;
	v4 =	vsel vm0, $0x3D80, v4  }
0x2e: {  	v5 =	vsel vm0, $0x3E00, v5;
	v6 =	vsel vm0, $0x3E80, v6;
	v7 =	vsel vm0, $0x3F00, v7  }
0x2f: {  	v8 =	vsel vm0, $0x3F80, v8;
	v9 =	vsel vm0, $0x3800, v9;
	v10 =	vsel vm0, $0x3880, v10  }
0x30: {  	s5 =	rddreg [dreg:$0x0];
	v11 =	vsel vm0, $0x3900, v11;
	v12 =	vsel vm0, $0x3980, v12;
	v13 =	vsel vm0, $0x3A00, v13  }
0x31: {  	s6 =	rddreg [dreg:$0x1];
	v14 =	vsel vm0, $0x3A80, v14;
	v15 =	vsel vm0, $0x3B00, v15;
	v2 =	vsel vm13, $0x980, v2  }
0x32: {  	s7 =	rddreg [dreg:$0x4];
	s1 =	simm.s32 $0x0;
	v1 =	vsel vm1, $0x4480, v1;
	v3 =	vsel vm1, $0x4580, v3;
	v4 =	vsel vm1, $0x4600, v4  }
0x33: {  	s0 =	simm.s32 $0xC00;
	[smem:$0x7FF] =	sst s1;
	v5 =	vsel vm1, $0x4680, v5;
	v6 =	vsel vm1, $0x4700, v6;
	v7 =	vsel vm1, $0x4780, v7  }
0x34: {  	s25 =	simm.s32 $0x8C00;
	_ =	strace $0x80000047;
	[dreg:$0x6] =	wrdreg s0;
	v8 =	vsel vm1, $0x4000, v8;
	v9 =	vsel vm1, $0x4080, v9;
	v10 =	vsel vm1, $0x4100, v10  }
0x35: {  	s26 =	simm.s32 $0x1400;
	[dreg:$0x7] =	wrdreg s25;
	v11 =	vsel vm1, $0x4180, v11;
	v12 =	vsel vm1, $0x4200, v12;
	v13 =	vsel vm1, $0x4280, v13  }
0x36: {  	s28 =	simm.s32 $0x9400;
	[dreg:$0x8] =	wrdreg s26;
	v14 =	vsel vm1, $0x4300, v14;
	v15 =	vsel vm1, $0x4380, v15;
	v2 =	vsel vm12, $0x1200, v2  }
0x37: {  	s29 =	simm.s32 $0x1C00;
	[dreg:$0x9] =	wrdreg s28;
	v1 =	vsel vm2, $0x4D00, v1;
	v3 =	vsel vm2, $0x4E00, v3;
	v4 =	vsel vm2, $0x4E80, v4  }
0x38: {  	s30 =	simm.s32 $0x9C00;
	[dreg:$0xa] =	wrdreg s29;
	v5 =	vsel vm2, $0x4F00, v5;
	v6 =	vsel vm2, $0x4F80, v6;
	v7 =	vsel vm2, $0x4800, v7  }
0x39: {  	s31 =	simm.s32 $0x2400;
	[dreg:$0xb] =	wrdreg s30;
	v8 =	vsel vm2, $0x4880, v8;
	v9 =	vsel vm2, $0x4900, v9;
	v10 =	vsel vm2, $0x4980, v10  }
0x3a: {  	s2 =	simm.s32 $0xA400;
	[dreg:$0xc] =	wrdreg s31;
	v11 =	vsel vm2, $0x4A00, v11;
	v12 =	vsel vm2, $0x4A80, v12;
	v13 =	vsel vm2, $0x4B00, v13  }
0x3b: {  	s3 =	simm.s32 $0x2C00;
	[dreg:$0xd] =	wrdreg s2;
	v14 =	vsel vm2, $0x4B80, v14;
	v15 =	vsel vm2, $0x4C00, v15;
	v2 =	vsel vm11, $0x1A80, v2  }
0x3c: {  	s4 =	simm.s32 $0xAC00;
	[dreg:$0xe] =	wrdreg s3;
	v1 =	vsel vm3, $0x5580, v1;
	v3 =	vsel vm3, $0x5680, v3;
	v4 =	vsel vm3, $0x5700, v4  }
0x3d: {  	s8 =	simm.s32 $0x3400;
	[dreg:$0xf] =	wrdreg s4;
	v5 =	vsel vm3, $0x5780, v5;
	v6 =	vsel vm3, $0x5000, v6;
	v7 =	vsel vm3, $0x5080, v7  }
0x3e: {  	s9 =	simm.s32 $0xB400;
	[dreg:$0x10] =	wrdreg s8;
	v8 =	vsel vm3, $0x5100, v8;
	v9 =	vsel vm3, $0x5180, v9;
	v10 =	vsel vm3, $0x5200, v10  }
0x3f: {  	s10 =	simm.s32 $0x3C00;
	[dreg:$0x11] =	wrdreg s9;
	v11 =	vsel vm3, $0x5280, v11;
	v12 =	vsel vm3, $0x5300, v12;
	v13 =	vsel vm3, $0x5380, v13  }
0x40: {  	s11 =	simm.s32 $0xBC00;
	[dreg:$0x12] =	wrdreg s10;
	v14 =	vsel vm3, $0x5400, v14;
	v15 =	vsel vm3, $0x5480, v15;
	v2 =	vsel vm10, $0x2300, v2  }
0x41: {  	s12 =	simm.s32 $0x4400;
	[dreg:$0x13] =	wrdreg s11;
	v1 =	vsel vm4, $0x5E00, v1;
	v3 =	vsel vm4, $0x5F00, v3;
	v4 =	vsel vm4, $0x5F80, v4  }
0x42: {  	s13 =	simm.s32 $0xC400;
	[dreg:$0x14] =	wrdreg s12;
	v5 =	vsel vm4, $0x5800, v5;
	v6 =	vsel vm4, $0x5880, v6;
	v7 =	vsel vm4, $0x5900, v7  }
0x43: {  	s14 =	simm.s32 $0x4C00;
	[dreg:$0x15] =	wrdreg s13;
	v8 =	vsel vm4, $0x5980, v8;
	v9 =	vsel vm4, $0x5A00, v9;
	v10 =	vsel vm4, $0x5A80, v10  }
0x44: {  	s15 =	simm.s32 $0xCC00;
	[dreg:$0x16] =	wrdreg s14;
	v11 =	vsel vm4, $0x5B00, v11;
	v12 =	vsel vm4, $0x5B80, v12;
	v13 =	vsel vm4, $0x5C00, v13  }
0x45: {  	s16 =	simm.s32 $0x5400;
	[dreg:$0x17] =	wrdreg s15;
	v14 =	vsel vm4, $0x5C80, v14;
	v15 =	vsel vm4, $0x5D00, v15;
	v2 =	vsel vm9, $0x2B80, v2  }
0x46: {  	s17 =	simm.s32 $0xD400;
	[dreg:$0x18] =	wrdreg s16;
	v1 =	vsel vm5, $0x6680, v1;
	v3 =	vsel vm5, $0x6780, v3;
	v4 =	vsel vm5, $0x6000, v4  }
0x47: {  	s19 =	simm.s32 $0x5C00;
	[dreg:$0x19] =	wrdreg s17;
	v5 =	vsel vm5, $0x6080, v5;
	v6 =	vsel vm5, $0x6100, v6;
	v7 =	vsel vm5, $0x6180, v7  }
0x48: {  	s20 =	simm.s32 $0xDC00;
	[dreg:$0x1a] =	wrdreg s19;
	v8 =	vsel vm5, $0x6200, v8;
	v9 =	vsel vm5, $0x6280, v9;
	v10 =	vsel vm5, $0x6300, v10  }
0x49: {  	s21 =	simm.s32 $0x6400;
	[dreg:$0x1b] =	wrdreg s20;
	v11 =	vsel vm5, $0x6380, v11;
	v12 =	vsel vm5, $0x6400, v12;
	v13 =	vsel vm5, $0x6480, v13  }
0x4a: {  	s22 =	simm.s32 $0xE400;
	[dreg:$0x1c] =	wrdreg s21;
	v14 =	vsel vm5, $0x6500, v14;
	v15 =	vsel vm5, $0x6580, v15;
	v2 =	vsel vm8, $0x3400, v2  }
0x4b: {  	s24 =	simm.s32 $0x6C00;
	s2 =	srdreg.scid;
	[dreg:$0x1d] =	wrdreg s22;
	v1 =	vsel vm6, $0x6F00, v1;
	v3 =	vsel vm6, $0x6800, v3;
	v4 =	vsel vm6, $0x6880, v4  }
0x4c: {  	s8 =	stileid.u32;
	[dreg:$0x1e] =	wrdreg s24;
	v5 =	vsel vm6, $0x6900, v5;
	v6 =	vsel vm6, $0x6980, v6;
	v7 =	vsel vm6, $0x6A00, v7  }
0x4d: {  	s25 =	simm.s32 $0xEC00;
	s28 =	simm.s32 $0x7400;
	s29 =	simm.s32 $0xF400;
	v8 =	vsel vm6, $0x6A80, v8;
	v9 =	vsel vm6, $0x6B00, v9;
	v10 =	vsel vm6, $0x6B80, v10  }
0x4e: {  	s30 =	simm.s32 $0x7C00;
	s31 =	simm.s32 $0xFC00;
	[dreg:$0x1f] =	wrdreg s25;
	v11 =	vsel vm6, $0x6C00, v11;
	v12 =	vsel vm6, $0x6C80, v12;
	v13 =	vsel vm6, $0x6D00, v13  }
0x4f: {  	s2 =	sand.u32 $0x1, s2;
	s18 =	sshll.u32 s8, $0x7;
	[smem:$0x7FA] =	sst s28;
	v14 =	vsel vm6, $0x6D80, v14;
	v15 =	vsel vm6, $0x6E00, v15;
	v2 =	vsel vm0, $0x3C80, v2  }
0x50: {  	[smem:$0x7FB] =	sst s29;
	s3 =	ssub.s32 $0x2, s2;
	s2 =	sshll.u32 s2, $0x6;
	v1 =	vsel vm7, $0x7780, v1;
	v3 =	vsel vm7, $0x7080, v3;
	v2 =	vsel vm1, $0x4500, v2  }
0x51: {  	[smem:$0x7FC] =	sst s30;
	s4 =	sshrl.u32 s3, $0x1;
	s2 =	sor.u32 s2, s18;
	v4 =	vsel vm7, $0x7100, v4;
	v5 =	vsel vm7, $0x7180, v5;
	v2 =	vsel vm2, $0x4D80, v2  }
0x52: {  	[smem:$0x7FD] =	sst s31;
	s3 =	ssub.s32 s3, s4;
	s4 =	sadd.s32 s5, s2;
	v6 =	vsel vm7, $0x7200, v6;
	v7 =	vsel vm7, $0x7280, v7;
	v2 =	vsel vm3, $0x5600, v2  }
0x53: {  	s12 =	simm.s32 $0x400;
	s23 =	sadd.s32 s6, s2;
	[smem:$0x7F6] =	sst s4;
	v8 =	vsel vm7, $0x7300, v8;
	v9 =	vsel vm7, $0x7380, v9;
	v2 =	vsel vm4, $0x5E80, v2  }
0x54: {  	s11 =	simm.s32 $0x8400;
	s2 =	sadd.s32 s7, s2;
	[smem:$0x7F7] =	sst s23;
	v10 =	vsel vm7, $0x7400, v10;
	v11 =	vsel vm7, $0x7480, v11;
	v2 =	vsel vm5, $0x6700, v2  }
0x55: {  	[smem:$0x7F8] =	sst s2;
	s26 =	smax.u32 s3, $0x1;
	s2 =	simm.s32 $0x2;
	v12 =	vsel vm7, $0x7500, v12;
	v13 =	vsel vm7, $0x7580, v13;
	v2 =	vsel vm6, $0x6F80, v2  }
0x56: {  	s23 =	simm.s32 $0x7A1400;
	s3 =	simm.s32 $0x0;
	[smem:$0x7F9] =	sst s26;
	v14 =	vsel vm7, $0x7600, v14;
	v15 =	vsel vm7, $0x7680, v15;
	v2 =	vsel vm7, $0x7000, v2  }
.LBB2_1:
0x57: {  	s0 =	sld [smem:$0x7F6];
	_ =	sdelay $0x1  }
0x58: {  	[smem:$0x7F5] =	sst s3  }
0x59: {  	[tilespmem:s1], [sflag:$0x2] =	stream.linear.gather [hbm4b:s0+s1], $0x200, $0x38;
	[tilespmem:$0x10600] =	vst v63  }
0x5a: {  	_ =	swait.ge [sflag:s2], $0x200  }
0x5b: {  	s6 =	sld [smem:$0x7F7]  }
0x5c: {  	[sflag:s2] =	ssyncset.done $0x0  }
0x5d: {  	s7 =	simm.s32 $0x200;
	[sflag:s2] =	ssyncadd.s32 $0xFFFFFE00  }
0x5e: {  	[tilespmem:s7], [sflag:$0x2] =	stream.linear.gather [hbm4b:s6+s1], $0x200, $0x38;
	[tilespmem:$0x10600] =	vst v63  }
0x5f: {  	_ =	swait.ge [sflag:s2], $0x200  }
0x60: {  	[sflag:s2] =	ssyncset.done $0x0  }
0x61: {  	s20 =	simm.s32 $0x0;
	[sflag:s2] =	ssyncadd.s32 $0xFFFFFE00  }
0x62: {  	v16 =	vld [tilespmem:s20+$0x200]  }
0x63: {  	v17 =	vld [tilespmem:s20+$0x0];
	_ =	sdelay $0x3  }
0x64: {  	(v2sf) =	vpush v16, $0x0  }
0x65: {  	(v2sf) =	vpush v17, $0x2  }
0x66: {  	(v2sf) =	vpush v16, $0x1  }
0x67: {  	(v2sf) =	vpush v17, $0x0;
	_ =	sdelay $0x1  }
0x68: {  	(v2sf) =	vpush v16, $0x2;
	_ =	sdelay $0x1  }
0x69: {  	(v2sf) =	vpush v17, $0x1;
	_ =	sdelay $0x7  }
0x6a: {  	s8 =	spop (v2sf)  }
0x6b: {  	s9 =	spop (v2sf)  }
0x6c: {  	s10 =	spop (v2sf)  }
0x6d: {  	s1 =	rddreg [dreg:$0x2];
	s4 =	spop (v2sf);
	(v2sf) =	vpush v17, $0x4  }
0x6e: {  	s6 =	rddreg [dreg:$0x3];
	s4 =	sand.u32 $0xFFFFF80, s4;
	(v2sf) =	vpush v17, $0x3  }
0x6f: {  	s0 =	sand.u32 $0xFFFFF80, s8;
	s13 =	spop (v2sf);
	s4 =	sadd.s32 s1, s4;
	(v2sf) =	vpush v16, $0x4  }
0x70: {  	[tilespmem:s12], [sflag:$0x1] =	stream.strided.gather [hbm4b:s4+s12], $0x800, s23, s12, $0x38;
	(v2sf) =	vpush v16, $0x3;
	[tilespmem:$0x10600] =	vst v63  }
0x71: {  	s7 =	simm.s32 $0x8400;
	s0 =	sadd.s32 s6, s0;
	s14 =	spop (v2sf)  }
0x72: {  	[tilespmem:s7], [sflag:$0x1] =	stream.strided.gather [hbm4b:s0+s12], $0x800, s23, s12, $0x38;
	[tilespmem:$0x10600] =	vst v63  }
0x73: {  	s0 =	sand.u32 $0xFFFFF80, s14  }
0x74: {  	s5 =	rddreg [dreg:$0x6];
	s3 =	sand.u32 $0xFFFFF80, s10;
	s0 =	sadd.s32 s1, s0  }
0x75: {  	(v2sf) =	vpush v17, $0x5;
	[tilespmem:s5], [sflag:$0x1] =	stream.strided.gather [hbm4b:s0+s12], $0x800, s23, s12, $0x38;
	[tilespmem:$0x10600] =	vst v63  }
0x76: {  	s15 =	rddreg [dreg:$0x7];
	s2 =	sand.u32 $0xFFFFF80, s9;
	s3 =	sadd.s32 s6, s3  }
0x77: {  	[tilespmem:s15], [sflag:$0x1] =	stream.strided.gather [hbm4b:s3+s12], $0x800, s23, s12, $0x38;
	[tilespmem:$0x10600] =	vst v63  }
0x78: {  	s16 =	rddreg [dreg:$0x8];
	s2 =	sadd.s32 s1, s2;
	s17 =	sand.u32 $0xFFFFF80, s13  }
0x79: {  	(v2sf) =	vpush v16, $0x5;
	[tilespmem:s16], [sflag:$0x1] =	stream.strided.gather [hbm4b:s2+s12], $0x800, s23, s12, $0x38;
	[tilespmem:$0x10600] =	vst v63  }
0x7a: {  	s18 =	rddreg [dreg:$0x9];
	s21 =	sadd.s32 s6, s17  }
0x7b: {  	[tilespmem:s18], [sflag:$0x1] =	stream.strided.gather [hbm4b:s21+s12], $0x800, s23, s12, $0x38;
	[tilespmem:$0x10600] =	vst v63  }
0x7c: {  	(v2sf) =	vpush v17, $0x6;
	s19 =	spop (v2sf)  }
0x7d: {  	s22 =	spop (v2sf)  }
0x7e: {  	s2 =	sand.u32 $0xFFFFF80, s22;
	s25 =	spop (v2sf)  }
0x7f: {  	s24 =	rddreg [dreg:$0xa];
	(v2sf) =	vpush v16, $0x6;
	s2 =	sadd.s32 s1, s2;
	s26 =	spop (v2sf)  }
0x80: {  	[tilespmem:s24], [sflag:$0x1] =	stream.strided.gather [hbm4b:s2+s12], $0x800, s23, s12, $0x38;
	[tilespmem:$0x10600] =	vst v63  }
0x81: {  	s28 =	rddreg [dreg:$0xb];
	s2 =	sand.u32 $0xFFFFF80, s26  }
0x82: {  	s29 =	rddreg [dreg:$0xc];
	(v2sf) =	vpush v17, $0x7;
	s0 =	sand.u32 $0xFFFFF80, s19;
	s2 =	sadd.s32 s6, s2  }
0x83: {  	[tilespmem:s28], [sflag:$0x1] =	stream.strided.gather [hbm4b:s2+s12], $0x800, s23, s12, $0x38;
	[tilespmem:$0x10600] =	vst v63  }
0x84: {  	s0 =	sadd.s32 s1, s0;
	s31 =	sand.u32 $0xFFFFF80, s25;
	s3 =	spop (v2sf)  }
0x85: {  	(v2sf) =	vpush v16, $0x7;
	[tilespmem:s29], [sflag:$0x1] =	stream.strided.gather [hbm4b:s0+s12], $0x800, s23, s12, $0x38;
	[tilespmem:$0x10600] =	vst v63  }
0x86: {  	s30 =	rddreg [dreg:$0xd];
	s2 =	sadd.s32 s6, s31;
	s0 =	sand.u32 $0xFFFFF80, s3  }
0x87: {  	[tilespmem:s30], [sflag:$0x1] =	stream.strided.gather [hbm4b:s2+s12], $0x800, s23, s12, $0x38;
	[tilespmem:$0x10600] =	vst v63  }
0x88: {  	s4 =	rddreg [dreg:$0xe];
	(v2sf) =	vpush v17, $0x8;
	s5 =	spop (v2sf);
	s0 =	sadd.s32 s1, s0  }
0x89: {  	[tilespmem:s4], [sflag:$0x1] =	stream.strided.gather [hbm4b:s0+s12], $0x800, s23, s12, $0x38;
	[tilespmem:$0x10600] =	vst v63  }
0x8a: {  	s0 =	sand.u32 $0xFFFFF80, s5  }
0x8b: {  	s8 =	rddreg [dreg:$0xf];
	(v2sf) =	vpush v16, $0x8;
	s9 =	spop (v2sf);
	s0 =	sadd.s32 s6, s0  }
0x8c: {  	[tilespmem:s8], [sflag:$0x1] =	stream.strided.gather [hbm4b:s0+s12], $0x800, s23, s12, $0x38;
	[tilespmem:$0x10600] =	vst v63  }
0x8d: {  	s0 =	sand.u32 $0xFFFFF80, s9  }
0x8e: {  	s10 =	rddreg [dreg:$0x10];
	(v2sf) =	vpush v17, $0x9;
	s13 =	spop (v2sf);
	s0 =	sadd.s32 s1, s0  }
0x8f: {  	[tilespmem:s10], [sflag:$0x1] =	stream.strided.gather [hbm4b:s0+s12], $0x800, s23, s12, $0x38;
	[tilespmem:$0x10600] =	vst v63  }
0x90: {  	s0 =	sand.u32 $0xFFFFF80, s13  }
0x91: {  	s14 =	rddreg [dreg:$0x11];
	(v2sf) =	vpush v16, $0x9;
	s15 =	spop (v2sf);
	s0 =	sadd.s32 s6, s0  }
0x92: {  	[tilespmem:s14], [sflag:$0x1] =	stream.strided.gather [hbm4b:s0+s12], $0x800, s23, s12, $0x38;
	[tilespmem:$0x10600] =	vst v63  }
0x93: {  	s0 =	sand.u32 $0xFFFFF80, s15  }
0x94: {  	s16 =	rddreg [dreg:$0x12];
	(v2sf) =	vpush v17, $0xA;
	s17 =	spop (v2sf);
	s0 =	sadd.s32 s1, s0  }
0x95: {  	[tilespmem:s16], [sflag:$0x1] =	stream.strided.gather [hbm4b:s0+s12], $0x800, s23, s12, $0x38;
	[tilespmem:$0x10600] =	vst v63  }
0x96: {  	s0 =	sand.u32 $0xFFFFF80, s17  }
0x97: {  	s18 =	rddreg [dreg:$0x13];
	(v2sf) =	vpush v16, $0xA;
	s19 =	spop (v2sf);
	s0 =	sadd.s32 s6, s0  }
0x98: {  	[tilespmem:s18], [sflag:$0x1] =	stream.strided.gather [hbm4b:s0+s12], $0x800, s23, s12, $0x38;
	[tilespmem:$0x10600] =	vst v63  }
0x99: {  	s0 =	sand.u32 $0xFFFFF80, s19  }
0x9a: {  	s21 =	rddreg [dreg:$0x14];
	(v2sf) =	vpush v17, $0xB;
	s22 =	spop (v2sf);
	s0 =	sadd.s32 s1, s0  }
0x9b: {  	[tilespmem:s21], [sflag:$0x1] =	stream.strided.gather [hbm4b:s0+s12], $0x800, s23, s12, $0x38;
	[tilespmem:$0x10600] =	vst v63  }
0x9c: {  	s0 =	sand.u32 $0xFFFFF80, s22  }
0x9d: {  	s24 =	rddreg [dreg:$0x15];
	(v2sf) =	vpush v16, $0xB;
	s25 =	spop (v2sf);
	s0 =	sadd.s32 s6, s0  }
0x9e: {  	[tilespmem:s24], [sflag:$0x1] =	stream.strided.gather [hbm4b:s0+s12], $0x800, s23, s12, $0x38;
	[tilespmem:$0x10600] =	vst v63  }
0x9f: {  	s0 =	sand.u32 $0xFFFFF80, s25  }
0xa0: {  	s26 =	rddreg [dreg:$0x16];
	(v2sf) =	vpush v17, $0xC;
	s28 =	spop (v2sf);
	s0 =	sadd.s32 s1, s0  }
0xa1: {  	[tilespmem:s26], [sflag:$0x1] =	stream.strided.gather [hbm4b:s0+s12], $0x800, s23, s12, $0x38;
	[tilespmem:$0x10600] =	vst v63  }
0xa2: {  	s0 =	sand.u32 $0xFFFFF80, s28  }
0xa3: {  	s29 =	rddreg [dreg:$0x17];
	(v2sf) =	vpush v16, $0xC;
	s30 =	spop (v2sf);
	s0 =	sadd.s32 s6, s0  }
0xa4: {  	[tilespmem:s29], [sflag:$0x1] =	stream.strided.gather [hbm4b:s0+s12], $0x800, s23, s12, $0x38;
	[tilespmem:$0x10600] =	vst v63  }
0xa5: {  	s0 =	sand.u32 $0xFFFFF80, s30  }
0xa6: {  	s31 =	rddreg [dreg:$0x18];
	(v2sf) =	vpush v17, $0xD;
	s2 =	spop (v2sf);
	s0 =	sadd.s32 s1, s0  }
0xa7: {  	[tilespmem:s31], [sflag:$0x1] =	stream.strided.gather [hbm4b:s0+s12], $0x800, s23, s12, $0x38;
	[tilespmem:$0x10600] =	vst v63  }
0xa8: {  	s0 =	sand.u32 $0xFFFFF80, s2  }
0xa9: {  	s3 =	rddreg [dreg:$0x19];
	(v2sf) =	vpush v16, $0xD;
	s4 =	spop (v2sf);
	s0 =	sadd.s32 s6, s0  }
0xaa: {  	[tilespmem:s3], [sflag:$0x1] =	stream.strided.gather [hbm4b:s0+s12], $0x800, s23, s12, $0x38;
	[tilespmem:$0x10600] =	vst v63  }
0xab: {  	s0 =	sand.u32 $0xFFFFF80, s4  }
0xac: {  	s5 =	rddreg [dreg:$0x1a];
	(v2sf) =	vpush v17, $0xE;
	s8 =	spop (v2sf);
	s0 =	sadd.s32 s1, s0  }
0xad: {  	[tilespmem:s5], [sflag:$0x1] =	stream.strided.gather [hbm4b:s0+s12], $0x800, s23, s12, $0x38;
	[tilespmem:$0x10600] =	vst v63  }
0xae: {  	s0 =	sand.u32 $0xFFFFF80, s8  }
0xaf: {  	s9 =	rddreg [dreg:$0x1b];
	(v2sf) =	vpush v16, $0xE;
	s10 =	spop (v2sf);
	s0 =	sadd.s32 s6, s0  }
0xb0: {  	[tilespmem:s9], [sflag:$0x1] =	stream.strided.gather [hbm4b:s0+s12], $0x800, s23, s12, $0x38;
	[tilespmem:$0x10600] =	vst v63  }
0xb1: {  	s0 =	sand.u32 $0xFFFFF80, s10  }
0xb2: {  	s13 =	rddreg [dreg:$0x1c];
	(v2sf) =	vpush v17, $0xF;
	s14 =	spop (v2sf);
	s0 =	sadd.s32 s1, s0  }
0xb3: {  	[tilespmem:s13], [sflag:$0x1] =	stream.strided.gather [hbm4b:s0+s12], $0x800, s23, s12, $0x38;
	[tilespmem:$0x10600] =	vst v63  }
0xb4: {  	s0 =	sand.u32 $0xFFFFF80, s14  }
0xb5: {  	s15 =	rddreg [dreg:$0x1d];
	(v2sf) =	vpush v16, $0xF;
	s16 =	spop (v2sf);
	s0 =	sadd.s32 s6, s0  }
0xb6: {  	[tilespmem:s15], [sflag:$0x1] =	stream.strided.gather [hbm4b:s0+s12], $0x800, s23, s12, $0x38;
	[tilespmem:$0x10600] =	vst v63  }
0xb7: {  	s0 =	sand.u32 $0xFFFFF80, s16  }
0xb8: {  	s17 =	rddreg [dreg:$0x1e];
	s18 =	spop (v2sf);
	s0 =	sadd.s32 s1, s0  }
0xb9: {  	[tilespmem:s17], [sflag:$0x1] =	stream.strided.gather [hbm4b:s0+s12], $0x800, s23, s12, $0x38;
	[tilespmem:$0x10600] =	vst v63  }
0xba: {  	s19 =	rddreg [dreg:$0x1f];
	s0 =	sand.u32 $0xFFFFF80, s18  }
0xbb: {  	s22 =	sld [smem:$0x7FA];
	s21 =	spop (v2sf);
	s0 =	sadd.s32 s6, s0  }
0xbc: {  	[tilespmem:s19], [sflag:$0x1] =	stream.strided.gather [hbm4b:s0+s12], $0x800, s23, s12, $0x38;
	[tilespmem:$0x10600] =	vst v63  }
0xbd: {  	s0 =	sand.u32 $0xFFFFF80, s21  }
0xbe: {  	s25 =	sld [smem:$0x7FB];
	s24 =	spop (v2sf);
	s0 =	sadd.s32 s1, s0  }
0xbf: {  	[tilespmem:s22], [sflag:$0x1] =	stream.strided.gather [hbm4b:s0+s12], $0x800, s23, s12, $0x38;
	[tilespmem:$0x10600] =	vst v63  }
0xc0: {  	s0 =	sand.u32 $0xFFFFF80, s24  }
0xc1: {  	s28 =	sld [smem:$0x7FC];
	s26 =	spop (v2sf);
	s0 =	sadd.s32 s6, s0  }
0xc2: {  	[tilespmem:s25], [sflag:$0x1] =	stream.strided.gather [hbm4b:s0+s12], $0x800, s23, s12, $0x38;
	[tilespmem:$0x10600] =	vst v63  }
0xc3: {  	s0 =	sand.u32 $0xFFFFF80, s26  }
0xc4: {  	s30 =	sld [smem:$0x7FD];
	s29 =	spop (v2sf);
	s0 =	sadd.s32 s1, s0  }
0xc5: {  	[tilespmem:s28], [sflag:$0x1] =	stream.strided.gather [hbm4b:s0+s12], $0x800, s23, s12, $0x38;
	[tilespmem:$0x10600] =	vst v63  }
0xc6: {  	s0 =	sand.u32 $0xFFFFF80, s29  }
0xc7: {  	s31 =	simm.s32 $0x1;
	s0 =	sadd.s32 s6, s0  }
0xc8: {  	[tilespmem:s30], [sflag:$0x1] =	stream.strided.gather [hbm4b:s0+s12], $0x800, s23, s12, $0x38;
	[tilespmem:$0x10600] =	vst v63  }
0xc9: {  	_ =	swait.ge [sflag:s31], $0x8000  }
0xca: {  	[sflag:s31] =	ssyncset.done $0x0  }
0xcb: {  	[sflag:s31] =	ssyncadd.s32 $0xFFFF8000  }
0xcc: {  	_ =	swait.ge [sflag:s31], $0x8000  }
0xcd: {  	[sflag:s31] =	ssyncset.done $0x0  }
0xce: {  	[sflag:s31] =	ssyncadd.s32 $0xFFFF8000  }
0xcf: {  	v16 =	vld [tilespmem:s20+$0x200]  }
0xd0: {  	v17 =	vld [tilespmem:s20+$0x0];
	_ =	sdelay $0x3  }
0xd1: {  	v18 =	vand.u32 $0x7F, v16  }
0xd2: {  	v21 =	vand.u32 $0x7F, v17;
	v19 =	vor.u32 v0, v18  }
0xd3: {  	v20 =	vor.u32 v0, v21  }
0xd4: {  	s18 =	simm.s32 $0x10;
	v22 =	vor.u32 v1, v21  }
0xd5: {  	v17 =	vld [tilespmem:s18+$0x0];
	v23 =	vor.u32 v1, v18  }
0xd6: {  	v16 =	vld [tilespmem:s18+$0x200];
	v24 =	vor.u32 v2, v21  }
0xd7: {  	v25 =	vor.u32 v2, v18;
	v19 =	vld.idx.msk [tilespmem:v19+s7+$0x0], $0xffff  }
0xd8: {  	v26 =	vor.u32 v3, v21;
	v20 =	vld.idx.msk [tilespmem:v20+s12+$0x0], $0xffff  }
0xd9: {  	v27 =	vor.u32 v3, v18;
	v22 =	vld.idx.msk [tilespmem:v22+s12+$0x0], $0xffff  }
0xda: {  	v32 =	vor.u32 v4, v21;
	v23 =	vld.idx.msk [tilespmem:v23+s7+$0x0], $0xffff  }
0xdb: {  	v33 =	vor.u32 v4, v18;
	v34 =	vor.u32 v5, v21;
	v24 =	vld.idx.msk [tilespmem:v24+s12+$0x0], $0xffff  }
0xdc: {  	v35 =	vor.u32 v5, v18;
	v36 =	vor.u32 v6, v21;
	v37 =	vor.u32 v6, v18;
	v42 =	vld.idx.msk [tilespmem:v25+s7+$0x0], $0xffff  }
0xdd: {  	v38 =	vor.u32 v7, v21;
	v39 =	vor.u32 v7, v18;
	(v2sf) =	vpush v16, $0x0;
	v43 =	vld.idx.msk [tilespmem:v26+s12+$0x0], $0xffff  }
0xde: {  	v40 =	vor.u32 v8, v21;
	v41 =	vor.u32 v8, v18;
	(v2sf) =	vpush v17, $0x2;
	v44 =	vld.idx.msk [tilespmem:v27+s7+$0x0], $0xffff  }
0xdf: {  	v31 =	vor.u32 v9, v21;
	v30 =	vor.u32 v9, v18;
	v32 =	vld.idx.msk [tilespmem:v32+s12+$0x0], $0xffff;
	(v2sf) =	vpush v16, $0x1  }
0xe0: {  	v29 =	vor.u32 v10, v21;
	v45 =	vld.idx.msk [tilespmem:v33+s7+$0x0], $0xffff;
	(v2sf) =	vpush v17, $0x0;
	v19 =	vmul.f32 v19, v20  }
0xe1: {  	v28 =	vor.u32 v10, v18;
	v27 =	vor.u32 v11, v21;
	v46 =	vld.idx.msk [tilespmem:v34+s12+$0x0], $0xffff;
	(v2sf) =	vpush v16, $0x2  }
0xe2: {  	v60 =	vld.idx.msk [tilespmem:v35+s7+$0x0], $0xffff;
	(v2sf) =	vpush v17, $0x1;
	v20 =	vmul.f32 v23, v22;
	v19 =	vadd.f32 $0.0e+00, v19  }
0xe3: {  	v25 =	vor.u32 v11, v18;
	v26 =	vor.u32 v12, v21;
	(v2sf) =	vpush v17, $0x4  }
0xe4: {  	v23 =	vmul.f32 v42, v24;
	(v2sf) =	vpush v17, $0x3;
	v19 =	vadd.f32 v20, v19  }
0xe5: {  	v33 =	vld.idx.msk [tilespmem:v36+s12+$0x0], $0xffff;
	v22 =	vor.u32 v12, v18;
	v24 =	vor.u32 v13, v21;
	(v2sf) =	vpush v16, $0x4  }
0xe6: {  	v36 =	vld.idx.msk [tilespmem:v37+s7+$0x0], $0xffff;
	v43 =	vmul.f32 v44, v43;
	(v2sf) =	vpush v16, $0x3;
	v61 =	vadd.f32 v23, v19  }
0xe7: {  	v35 =	vld.idx.msk [tilespmem:v39+s7+$0x0], $0xffff;
	v63 =	vmul.f32 v45, v32;
	v39 =	vmul.f32 v60, v46;
	(v2sf) =	vpush v17, $0x5  }
0xe8: {  	v34 =	vld.idx.msk [tilespmem:v38+s12+$0x0], $0xffff;
	v20 =	vor.u32 v13, v18;
	(v2sf) =	vpush v16, $0x5;
	v62 =	vadd.f32 v43, v61  }
0xe9: {  	v37 =	vld.idx.msk [tilespmem:v41+s7+$0x0], $0xffff;
	v23 =	vor.u32 v14, v21;
	v19 =	vor.u32 v14, v18;
	v21 =	vor.u32 v15, v21  }
0xea: {  	s19 =	simm.s32 $0x80;
	v32 =	vld.idx.msk [tilespmem:v40+s12+$0x0], $0xffff;
	v18 =	vor.u32 v15, v18;
	(v2sf) =	vpush v17, $0x6;
	v38 =	vadd.f32 v63, v62  }
.LBB2_2:
0xeb: {  	_ = 	snop  }
0xec: {  	(v2sf) =	vpush v16, $0x6  }
0xed: {  	s22 =	spop (v2sf);
	(v2sf) =	vpush v17, $0x7  }
0xee: {  	s2 =	spop (v2sf);
	(v2sf) =	vpush v16, $0x7  }
0xef: {  	v31 =	vld.idx.msk [tilespmem:v31+s12+$0x0], $0xffff;
	v38 =	vadd.f32 v39, v38;
	v33 =	vmul.f32 v36, v33;
	s3 =	spop (v2sf);
	(v2sf) =	vpush v17, $0x8  }
0xf0: {  	v30 =	vld.idx.msk [tilespmem:v30+s11+$0x0], $0xffff;
	s24 =	spop (v2sf);
	(v2sf) =	vpush v16, $0x8  }
0xf1: {  	v29 =	vld.idx.msk [tilespmem:v29+s12+$0x0], $0xffff;
	v34 =	vmul.f32 v35, v34;
	v33 =	vadd.f32 v33, v38;
	s5 =	spop (v2sf);
	(v2sf) =	vpush v17, $0x9  }
0xf2: {  	v28 =	vld.idx.msk [tilespmem:v28+s11+$0x0], $0xffff;
	s6 =	spop (v2sf);
	(v2sf) =	vpush v16, $0x9  }
0xf3: {  	v27 =	vld.idx.msk [tilespmem:v27+s12+$0x0], $0xffff;
	v32 =	vmul.f32 v37, v32;
	v33 =	vadd.f32 v34, v33;
	s7 =	spop (v2sf);
	(v2sf) =	vpush v17, $0xA  }
0xf4: {  	v25 =	vld.idx.msk [tilespmem:v25+s11+$0x0], $0xffff  }
0xf5: {  	s1 =	rddreg [dreg:$0x2];
	v26 =	vld.idx.msk [tilespmem:v26+s12+$0x0], $0xffff;
	v30 =	vmul.f32 v30, v31;
	s26 =	spop (v2sf);
	(v2sf) =	vpush v16, $0xA;
	v32 =	vadd.f32 v32, v33  }
0xf6: {  	s0 =	smov.u32 s19;
	v22 =	vld.idx.msk [tilespmem:v22+s11+$0x0], $0xffff;
	s17 =	rddreg [dreg:$0x3];
	s8 =	spop (v2sf);
	(v2sf) =	vpush v17, $0xB  }
0xf7: {  	v24 =	vld.idx.msk [tilespmem:v24+s12+$0x0], $0xffff;
	[smem:$0x7F4] =	sst s0;
	v28 =	vmul.f32 v28, v29;
	s29 =	spop (v2sf);
	v30 =	vadd.f32 v30, v32  }
0xf8: {  	v20 =	vld.idx.msk [tilespmem:v20+s11+$0x0], $0xffff;
	s0 =	sand.u32 $0xFFFFF80, s22;
	s2 =	sand.u32 $0xFFFFF80, s2;
	s9 =	spop (v2sf);
	(v2sf) =	vpush v16, $0xB  }
0xf9: {  	v23 =	vld.idx.msk [tilespmem:v23+s12+$0x0], $0xffff;
	s4 =	sand.u32 $0xFFFFF80, s3;
	v25 =	vmul.f32 v25, v27;
	s3 =	sand.u32 $0xFFFFF80, s24;
	s30 =	spop (v2sf);
	v28 =	vadd.f32 v28, v30  }
0xfa: {  	v19 =	vld.idx.msk [tilespmem:v19+s11+$0x0], $0xffff;
	s3 =	sadd.s32 s1, s3;
	s10 =	sand.u32 $0xFFFFF80, s5;
	(v2sf) =	vpush v17, $0xC;
	s31 =	spop (v2sf)  }
0xfb: {  	v21 =	vld.idx.msk [tilespmem:v21+s12+$0x0], $0xffff;
	v22 =	vmul.f32 v22, v26;
	s22 =	sand.u32 $0xFFFFF80, s8;
	s8 =	sadd.s32 s17, s4;
	s4 =	spop (v2sf);
	v25 =	vadd.f32 v25, v28  }
0xfc: {  	v18 =	vld.idx.msk [tilespmem:v18+s11+$0x0], $0xffff;
	s5 =	sadd.s32 s17, s0;
	s16 =	sadd.s32 s17, s10;
	(v2sf) =	vpush v16, $0xC;
	s10 =	spop (v2sf)  }
0xfd: {  	v20 =	vmul.f32 v20, v24;
	s25 =	sand.u32 $0xFFFFF80, s6;
	s21 =	sand.u32 $0xFFFFF80, s7;
	v22 =	vadd.f32 v22, v25;
	s13 =	spop (v2sf)  }
0xfe: {  	s7 =	sadd.s32 s1, s25;
	s28 =	sand.u32 $0xFFFFF80, s26;
	(v2sf) =	vpush v17, $0xD;
	s26 =	spop (v2sf)  }
0xff: {  	v19 =	vmul.f32 v19, v23;
	s14 =	sadd.s32 s1, s28;
	s15 =	sand.u32 $0xFFFFF80, s29;
	v20 =	vadd.f32 v20, v22;
	s28 =	spop (v2sf)  }
0x100: {  	s24 =	sand.u32 $0xFFFFF80, s9;
	s9 =	sadd.s32 s1, s2;
	(v2sf) =	vpush v16, $0xD;
	s29 =	spop (v2sf)  }
0x101: {  	v18 =	vmul.f32 v18, v21;
	s6 =	sand.u32 $0xFFFFF80, s30;
	s2 =	sand.u32 $0xFFFFF80, s4;
	v19 =	vadd.f32 v19, v20;
	s30 =	spop (v2sf)  }
0x102: {  	s25 =	sand.u32 $0xFFFFF80, s10;
	s4 =	sand.u32 $0xFFFFF80, s13;
	(v2sf) =	vpush v17, $0xE;
	s13 =	spop (v2sf)  }
0x103: {  	s10 =	sand.u32 $0xFFFFF80, s28;
	s28 =	sand.u32 $0xFFFFF80, s29;
	v18 =	vadd.f32 v18, v19;
	s13 =	sand.u32 $0xFFFFF80, s13  }
0x104: {  	s29 =	sand.u32 $0xFFFFF80, s30;
	s30 =	spop (v2sf);
	[smem:$0x7F3] =	sst s13  }
0x105: {  	s13 =	smov.u32 s18;
	s18 =	sand.u32 $0xFFFFF80, s30;
	s30 =	spop (v2sf);
	[tilespmem:s20+$0x10400] =	vst v18  }
0x106: {  	(v2sf) =	vpush v16, $0xE;
	[tilespmem:s12], [sflag:$0x1] =	stream.strided.gather [hbm4b:s3+s12], $0x800, s23, s12, $0x38;
	[tilespmem:$0x10600] =	vst v63  }
0x107: {  	s0 =	sadd.s32 s17, s15;
	s20 =	rddreg [dreg:$0x7];
	s15 =	spop (v2sf)  }
0x108: {  	[tilespmem:s11], [sflag:$0x1] =	stream.strided.gather [hbm4b:s5+s12], $0x800, s23, s12, $0x38;
	[tilespmem:$0x10600] =	vst v63  }
0x109: {  	s3 =	rddreg [dreg:$0x6];
	s5 =	spop (v2sf)  }
0x10a: {  	[tilespmem:s3], [sflag:$0x1] =	stream.strided.gather [hbm4b:s7+s12], $0x800, s23, s12, $0x38;
	[tilespmem:$0x10600] =	vst v63  }
0x10b: {  	s3 =	rddreg [dreg:$0x8];
	s7 =	spop (v2sf)  }
0x10c: {  	[tilespmem:s20], [sflag:$0x1] =	stream.strided.gather [hbm4b:s8+s12], $0x800, s23, s12, $0x38;
	[tilespmem:$0x10600] =	vst v63  }
0x10d: {  	s20 =	rddreg [dreg:$0x9];
	s8 =	spop (v2sf)  }
0x10e: {  	[tilespmem:s3], [sflag:$0x1] =	stream.strided.gather [hbm4b:s9+s12], $0x800, s23, s12, $0x38;
	[tilespmem:$0x10600] =	vst v63  }
0x10f: {  	s9 =	rddreg [dreg:$0xa];
	s3 =	spop (v2sf)  }
0x110: {  	[tilespmem:s20], [sflag:$0x1] =	stream.strided.gather [hbm4b:s16+s12], $0x800, s23, s12, $0x38;
	[tilespmem:$0x10600] =	vst v63  }
0x111: {  	s16 =	rddreg [dreg:$0xb];
	s20 =	spop (v2sf)  }
0x112: {  	[tilespmem:s9], [sflag:$0x1] =	stream.strided.gather [hbm4b:s14+s12], $0x800, s23, s12, $0x38;
	[tilespmem:$0x10600] =	vst v63  }
0x113: {  	s14 =	rddreg [dreg:$0xc];
	s9 =	sand.u32 $0xFFFFF80, s20  }
0x114: {  	[tilespmem:s16], [sflag:$0x1] =	stream.strided.gather [hbm4b:s0+s12], $0x800, s23, s12, $0x38;
	[tilespmem:$0x10600] =	vst v63  }
0x115: {  	s20 =	spop (v2sf);
	s0 =	sadd.s32 s1, s21;
	s16 =	rddreg [dreg:$0xd]  }
0x116: {  	[tilespmem:s14], [sflag:$0x1] =	stream.strided.gather [hbm4b:s0+s12], $0x800, s23, s12, $0x38;
	[tilespmem:$0x10600] =	vst v63  }
0x117: {  	s21 =	sand.u32 $0xFFFFF80, s20;
	s20 =	sadd.s32 s17, s22;
	s14 =	rddreg [dreg:$0xe]  }
0x118: {  	[tilespmem:s16], [sflag:$0x1] =	stream.strided.gather [hbm4b:s20+s12], $0x800, s23, s12, $0x38;
	[tilespmem:$0x10600] =	vst v63  }
0x119: {  	s24 =	sadd.s32 s1, s24;
	s16 =	rddreg [dreg:$0xf]  }
0x11a: {  	[tilespmem:s14], [sflag:$0x1] =	stream.strided.gather [hbm4b:s24+s12], $0x800, s23, s12, $0x38;
	[tilespmem:$0x10600] =	vst v63  }
0x11b: {  	s31 =	sand.u32 $0xFFFFF80, s31;
	s24 =	sadd.s32 s17, s6;
	s14 =	rddreg [dreg:$0x10]  }
0x11c: {  	[tilespmem:s16], [sflag:$0x1] =	stream.strided.gather [hbm4b:s24+s12], $0x800, s23, s12, $0x38;
	[tilespmem:$0x10600] =	vst v63  }
0x11d: {  	s26 =	sand.u32 $0xFFFFF80, s26;
	s24 =	sadd.s32 s1, s31;
	s31 =	rddreg [dreg:$0x11]  }
0x11e: {  	s16 =	sadd.s32 s1, s26;
	s26 =	rddreg [dreg:$0x16]  }
0x11f: {  	[tilespmem:s14], [sflag:$0x1] =	stream.strided.gather [hbm4b:s24+s12], $0x800, s23, s12, $0x38;
	[tilespmem:$0x10600] =	vst v63  }
0x120: {  	s14 =	sadd.s32 s17, s2;
	s24 =	rddreg [dreg:$0x12]  }
0x121: {  	[tilespmem:s31], [sflag:$0x1] =	stream.strided.gather [hbm4b:s14+s12], $0x800, s23, s12, $0x38;
	[tilespmem:$0x10600] =	vst v63  }
0x122: {  	s25 =	sadd.s32 s1, s25;
	s2 =	sadd.s32 s17, s4;
	s4 =	rddreg [dreg:$0x14]  }
0x123: {  	[tilespmem:s24], [sflag:$0x1] =	stream.strided.gather [hbm4b:s25+s12], $0x800, s23, s12, $0x38;
	[tilespmem:$0x10600] =	vst v63  }
0x124: {  	s31 =	rddreg [dreg:$0x13]  }
0x125: {  	[tilespmem:s31], [sflag:$0x1] =	stream.strided.gather [hbm4b:s2+s12], $0x800, s23, s12, $0x38;
	[tilespmem:$0x10600] =	vst v63  }
0x126: {  	s14 =	sld [smem:$0x7F3]  }
0x127: {  	[tilespmem:s4], [sflag:$0x1] =	stream.strided.gather [hbm4b:s16+s12], $0x800, s23, s12, $0x38;
	[tilespmem:$0x10600] =	vst v63  }
0x128: {  	s24 =	rddreg [dreg:$0x15];
	s25 =	sadd.s32 s17, s10  }
0x129: {  	[tilespmem:s24], [sflag:$0x1] =	stream.strided.gather [hbm4b:s25+s12], $0x800, s23, s12, $0x38;
	[tilespmem:$0x10600] =	vst v63  }
0x12a: {  	s28 =	sadd.s32 s1, s28;
	s10 =	rddreg [dreg:$0x18]  }
0x12b: {  	[tilespmem:s26], [sflag:$0x1] =	stream.strided.gather [hbm4b:s28+s12], $0x800, s23, s12, $0x38;
	[tilespmem:$0x10600] =	vst v63  }
0x12c: {  	s31 =	rddreg [dreg:$0x17];
	s2 =	sadd.s32 s17, s29  }
0x12d: {  	(v2sf) =	vpush v17, $0xF;
	[tilespmem:s31], [sflag:$0x1] =	stream.strided.gather [hbm4b:s2+s12], $0x800, s23, s12, $0x38;
	[tilespmem:$0x10600] =	vst v63  }
0x12e: {  	s30 =	sand.u32 $0xFFFFF80, s30;
	s0 =	sadd.s32 s1, s14;
	s29 =	rddreg [dreg:$0x1c]  }
0x12f: {  	[tilespmem:s10], [sflag:$0x1] =	stream.strided.gather [hbm4b:s0+s12], $0x800, s23, s12, $0x38;
	[tilespmem:$0x10600] =	vst v63  }
0x130: {  	s18 =	sadd.s32 s17, s18;
	s15 =	sand.u32 $0xFFFFF80, s15;
	s16 =	rddreg [dreg:$0x19]  }
0x131: {  	(v2sf) =	vpush v16, $0xF;
	[tilespmem:s16], [sflag:$0x1] =	stream.strided.gather [hbm4b:s18+s12], $0x800, s23, s12, $0x38;
	[tilespmem:$0x10600] =	vst v63  }
0x132: {  	s5 =	sand.u32 $0xFFFFF80, s5;
	s24 =	rddreg [dreg:$0x1a];
	s25 =	sadd.s32 s1, s30  }
0x133: {  	[tilespmem:s24], [sflag:$0x1] =	stream.strided.gather [hbm4b:s25+s12], $0x800, s23, s12, $0x38;
	[tilespmem:$0x10600] =	vst v63  }
0x134: {  	s7 =	sand.u32 $0xFFFFF80, s7;
	s26 =	rddreg [dreg:$0x1b];
	s28 =	sadd.s32 s17, s15  }
0x135: {  	[tilespmem:s26], [sflag:$0x1] =	stream.strided.gather [hbm4b:s28+s12], $0x800, s23, s12, $0x38;
	[tilespmem:$0x10600] =	vst v63  }
0x136: {  	s30 =	sadd.s32 s1, s5;
	s5 =	sadd.s32 s17, s7;
	s7 =	rddreg [dreg:$0x1e]  }
0x137: {  	[tilespmem:s29], [sflag:$0x1] =	stream.strided.gather [hbm4b:s30+s12], $0x800, s23, s12, $0x38;
	[tilespmem:$0x10600] =	vst v63  }
0x138: {  	s8 =	sand.u32 $0xFFFFF80, s8;
	s31 =	rddreg [dreg:$0x1d]  }
0x139: {  	[tilespmem:s31], [sflag:$0x1] =	stream.strided.gather [hbm4b:s5+s12], $0x800, s23, s12, $0x38;
	[tilespmem:$0x10600] =	vst v63  }
0x13a: {  	s8 =	sadd.s32 s1, s8;
	s3 =	sand.u32 $0xFFFFF80, s3;
	s15 =	sld [smem:$0x7FA]  }
0x13b: {  	[tilespmem:s7], [sflag:$0x1] =	stream.strided.gather [hbm4b:s8+s12], $0x800, s23, s12, $0x38;
	[tilespmem:$0x10600] =	vst v63  }
0x13c: {  	s22 =	spop (v2sf);
	s14 =	sadd.s32 s17, s3;
	s10 =	rddreg [dreg:$0x1f]  }
0x13d: {  	[tilespmem:s10], [sflag:$0x1] =	stream.strided.gather [hbm4b:s14+s12], $0x800, s23, s12, $0x38;
	[tilespmem:$0x10600] =	vst v63  }
0x13e: {  	s22 =	sand.u32 $0xFFFFF80, s22;
	s16 =	sadd.s32 s1, s9;
	s18 =	sld [smem:$0x7FB]  }
0x13f: {  	[tilespmem:s15], [sflag:$0x1] =	stream.strided.gather [hbm4b:s16+s12], $0x800, s23, s12, $0x38;
	[tilespmem:$0x10600] =	vst v63  }
0x140: {  	s6 =	spop (v2sf);
	s24 =	sadd.s32 s17, s21;
	s25 =	sld [smem:$0x7FC]  }
0x141: {  	[tilespmem:s18], [sflag:$0x1] =	stream.strided.gather [hbm4b:s24+s12], $0x800, s23, s12, $0x38;
	[tilespmem:$0x10600] =	vst v63  }
0x142: {  	s6 =	sand.u32 $0xFFFFF80, s6;
	s26 =	sadd.s32 s1, s22;
	s28 =	sld [smem:$0x7FD]  }
0x143: {  	[tilespmem:s25], [sflag:$0x1] =	stream.strided.gather [hbm4b:s26+s12], $0x800, s23, s12, $0x38;
	[tilespmem:$0x10600] =	vst v63  }
0x144: {  	s29 =	sadd.s32 s17, s6;
	s30 =	simm.s32 $0x1  }
0x145: {  	[tilespmem:s28], [sflag:$0x1] =	stream.strided.gather [hbm4b:s29+s12], $0x800, s23, s12, $0x38;
	[tilespmem:$0x10600] =	vst v63  }
0x146: {  	_ =	swait.ge [sflag:s30], $0x8000  }
0x147: {  	[sflag:s30] =	ssyncset.done $0x0  }
0x148: {  	[sflag:s30] =	ssyncadd.s32 $0xFFFF8000  }
0x149: {  	_ =	swait.ge [sflag:s30], $0x8000  }
0x14a: {  	[sflag:s30] =	ssyncset.done $0x0  }
0x14b: {  	[sflag:s30] =	ssyncadd.s32 $0xFFFF8000  }
0x14c: {  	v16 =	vld [tilespmem:s13+$0x200]  }
0x14d: {  	v17 =	vld [tilespmem:s13+$0x0];
	_ =	sdelay $0x3  }
0x14e: {  	s31 =	sld [smem:$0x7F4];
	v18 =	vand.u32 $0x7F, v16  }
0x14f: {  	v21 =	vand.u32 $0x7F, v17;
	v19 =	vor.u32 v0, v18  }
0x150: {  	v22 =	vor.u32 v0, v21  }
0x151: {  	s18 =	sshra.s32 s31, $0x2;
	v23 =	vor.u32 v1, v21  }
0x152: {  	v17 =	vld [tilespmem:s18+$0x0];
	v20 =	vor.u32 v1, v18  }
0x153: {  	v16 =	vld [tilespmem:s18+$0x200];
	v24 =	vor.u32 v2, v21  }
0x154: {  	v61 =	vor.u32 v2, v18;
	v41 =	vld.idx.msk [tilespmem:v19+s11+$0x0], $0xffff  }
0x155: {  	v62 =	vor.u32 v3, v21;
	v45 =	vld.idx.msk [tilespmem:v22+s12+$0x0], $0xffff  }
0x156: {  	v63 =	vor.u32 v3, v18;
	v47 =	vld.idx.msk [tilespmem:v23+s12+$0x0], $0xffff  }
0x157: {  	v52 =	vor.u32 v4, v21;
	v53 =	vor.u32 v4, v18;
	v54 =	vor.u32 v5, v21;
	v48 =	vld.idx.msk [tilespmem:v20+s11+$0x0], $0xffff  }
0x158: {  	v55 =	vor.u32 v5, v18;
	v56 =	vor.u32 v6, v21;
	v40 =	vor.u32 v6, v18;
	v49 =	vld.idx.msk [tilespmem:v24+s12+$0x0], $0xffff  }
0x159: {  	v42 =	vor.u32 v7, v21;
	v43 =	vor.u32 v7, v18;
	v44 =	vor.u32 v8, v21;
	v32 =	vld.idx.msk [tilespmem:v61+s11+$0x0], $0xffff  }
0x15a: {  	v46 =	vor.u32 v8, v18;
	v31 =	vor.u32 v9, v21;
	(v2sf) =	vpush v16, $0x0;
	v50 =	vld.idx.msk [tilespmem:v62+s12+$0x0], $0xffff  }
0x15b: {  	v30 =	vor.u32 v9, v18;
	v29 =	vor.u32 v10, v21;
	(v2sf) =	vpush v17, $0x2;
	v34 =	vld.idx.msk [tilespmem:v63+s11+$0x0], $0xffff  }
0x15c: {  	v28 =	vor.u32 v10, v18;
	v35 =	vld.idx.msk [tilespmem:v52+s12+$0x0], $0xffff;
	(v2sf) =	vpush v16, $0x1;
	v57 =	vmul.f32 v41, v45  }
0x15d: {  	v27 =	vor.u32 v11, v21;
	v25 =	vor.u32 v11, v18;
	v59 =	vld.idx.msk [tilespmem:v53+s11+$0x0], $0xffff;
	(v2sf) =	vpush v17, $0x0  }
0x15e: {  	v37 =	vld.idx.msk [tilespmem:v54+s12+$0x0], $0xffff;
	(v2sf) =	vpush v16, $0x2;
	v58 =	vmul.f32 v48, v47;
	v33 =	vadd.f32 $0.0e+00, v57  }
0x15f: {  	v26 =	vor.u32 v12, v21;
	v22 =	vor.u32 v12, v18;
	v61 =	vld.idx.msk [tilespmem:v55+s11+$0x0], $0xffff;
	(v2sf) =	vpush v17, $0x1  }
0x160: {  	(v2sf) =	vpush v17, $0x4;
	v32 =	vmul.f32 v32, v49;
	v60 =	vadd.f32 v58, v33  }
0x161: {  	p0 =	sne.s32 s19, $0x7C0;
	v24 =	vor.u32 v13, v21;
	v20 =	vor.u32 v13, v18;
	v36 =	vld.idx.msk [tilespmem:v40+s11+$0x0], $0xffff;
	(v2sf) =	vpush v17, $0x3  }
.Ltmp0:
0x162: {  	v62 =	vmul.f32 v34, v50;
	v34 =	vld.idx.msk [tilespmem:v42+s12+$0x0], $0xffff;
	(v2sf) =	vpush v16, $0x4;
	v32 =	vadd.f32 v32, v60;
	(pc) =	sbr.rel @p0 .LBB2_2-.Ltmp0, $4  }
0x163: {  	v23 =	vor.u32 v14, v21;
	v63 =	vmul.f32 v59, v35;
	v35 =	vld.idx.msk [tilespmem:v43+s11+$0x0], $0xffff;
	(v2sf) =	vpush v16, $0x3  }
0x164: {  	v39 =	vmul.f32 v61, v37;
	v37 =	vld.idx.msk [tilespmem:v46+s11+$0x0], $0xffff;
	(v2sf) =	vpush v17, $0x5;
	v38 =	vadd.f32 v62, v32  }
0x165: {  	v19 =	vor.u32 v14, v18;
	v21 =	vor.u32 v15, v21;
	v33 =	vld.idx.msk [tilespmem:v56+s12+$0x0], $0xffff;
	(v2sf) =	vpush v16, $0x5  }
0x166: {  	s19 =	sadd.s32 $0x40, s19;
	s20 =	smov.u32 s13;
	v18 =	vor.u32 v15, v18;
	(v2sf) =	vpush v17, $0x6;
	v32 =	vld.idx.msk [tilespmem:v44+s12+$0x0], $0xffff;
	v38 =	vadd.f32 v63, v38  }
0x167: {  	_ =	sdelay $0x3  }
0x168: {  	v31 =	vld.idx.msk [tilespmem:v31+s12+$0x0], $0xffff;
	s7 =	simm.s32 $0x8400;
	v38 =	vadd.f32 v39, v38;
	v33 =	vmul.f32 v36, v33  }
0x169: {  	v30 =	vld.idx.msk [tilespmem:v30+s7+$0x0], $0xffff  }
0x16a: {  	v29 =	vld.idx.msk [tilespmem:v29+s12+$0x0], $0xffff;
	v34 =	vmul.f32 v35, v34;
	v33 =	vadd.f32 v33, v38  }
0x16b: {  	v28 =	vld.idx.msk [tilespmem:v28+s7+$0x0], $0xffff  }
0x16c: {  	v27 =	vld.idx.msk [tilespmem:v27+s12+$0x0], $0xffff;
	v32 =	vmul.f32 v37, v32;
	v33 =	vadd.f32 v34, v33  }
0x16d: {  	v25 =	vld.idx.msk [tilespmem:v25+s7+$0x0], $0xffff  }
0x16e: {  	v26 =	vld.idx.msk [tilespmem:v26+s12+$0x0], $0xffff;
	v30 =	vmul.f32 v30, v31;
	v32 =	vadd.f32 v32, v33  }
0x16f: {  	v22 =	vld.idx.msk [tilespmem:v22+s7+$0x0], $0xffff  }
0x170: {  	v24 =	vld.idx.msk [tilespmem:v24+s12+$0x0], $0xffff;
	v28 =	vmul.f32 v28, v29;
	v30 =	vadd.f32 v30, v32  }
0x171: {  	v20 =	vld.idx.msk [tilespmem:v20+s7+$0x0], $0xffff  }
0x172: {  	v23 =	vld.idx.msk [tilespmem:v23+s12+$0x0], $0xffff;
	v25 =	vmul.f32 v25, v27;
	v28 =	vadd.f32 v28, v30  }
0x173: {  	v19 =	vld.idx.msk [tilespmem:v19+s7+$0x0], $0xffff  }
0x174: {  	v21 =	vld.idx.msk [tilespmem:v21+s12+$0x0], $0xffff;
	v22 =	vmul.f32 v22, v26;
	v25 =	vadd.f32 v25, v28  }
0x175: {  	v18 =	vld.idx.msk [tilespmem:v18+s7+$0x0], $0xffff  }
0x176: {  	v20 =	vmul.f32 v20, v24;
	v22 =	vadd.f32 v22, v25;
	_ =	sdelay $0x1  }
0x177: {  	s0 =	spop (v2sf);
	v19 =	vmul.f32 v19, v23;
	v20 =	vadd.f32 v20, v22  }
0x178: {  	s2 =	spop (v2sf)  }
0x179: {  	s3 =	spop (v2sf);
	v18 =	vmul.f32 v18, v21;
	v19 =	vadd.f32 v19, v20  }
0x17a: {  	s1 =	rddreg [dreg:$0x2];
	s4 =	spop (v2sf)  }
0x17b: {  	s6 =	rddreg [dreg:$0x3];
	s31 =	spop (v2sf);
	v18 =	vadd.f32 v18, v19  }
0x17c: {  	s5 =	rddreg [dreg:$0x6];
	s4 =	sand.u32 $0xFFFFF80, s4;
	s8 =	spop (v2sf)  }
0x17d: {  	s0 =	sand.u32 $0xFFFFF80, s0;
	s4 =	sadd.s32 s1, s4;
	s15 =	spop (v2sf);
	[tilespmem:s20+$0x10400] =	vst v18  }
0x17e: {  	[tilespmem:s12], [sflag:$0x1] =	stream.strided.gather [hbm4b:s4+s12], $0x800, s23, s12, $0x38;
	[tilespmem:$0x10600] =	vst v63  }
0x17f: {  	s9 =	rddreg [dreg:$0x7];
	s0 =	sadd.s32 s6, s0;
	s17 =	spop (v2sf)  }
0x180: {  	[tilespmem:s7], [sflag:$0x1] =	stream.strided.gather [hbm4b:s0+s12], $0x800, s23, s12, $0x38;
	[tilespmem:$0x10600] =	vst v63  }
0x181: {  	s10 =	rddreg [dreg:$0x8];
	s20 =	spop (v2sf);
	s0 =	sand.u32 $0xFFFFF80, s8  }
0x182: {  	s3 =	sand.u32 $0xFFFFF80, s3;
	s21 =	spop (v2sf);
	s0 =	sadd.s32 s1, s0  }
0x183: {  	[tilespmem:s5], [sflag:$0x1] =	stream.strided.gather [hbm4b:s0+s12], $0x800, s23, s12, $0x38;
	[tilespmem:$0x10600] =	vst v63  }
0x184: {  	s2 =	sand.u32 $0xFFFFF80, s2;
	s3 =	sadd.s32 s6, s3;
	(v2sf) =	vpush v16, $0x6;
	s28 =	spop (v2sf)  }
0x185: {  	[tilespmem:s9], [sflag:$0x1] =	stream.strided.gather [hbm4b:s3+s12], $0x800, s23, s12, $0x38;
	[tilespmem:$0x10600] =	vst v63  }
0x186: {  	s2 =	sadd.s32 s1, s2;
	s13 =	sand.u32 $0xFFFFF80, s31;
	(v2sf) =	vpush v17, $0x7;
	s30 =	spop (v2sf)  }
0x187: {  	(v2sf) =	vpush v16, $0x7;
	[tilespmem:s10], [sflag:$0x1] =	stream.strided.gather [hbm4b:s2+s12], $0x800, s23, s12, $0x38;
	[tilespmem:$0x10600] =	vst v63  }
0x188: {  	s14 =	rddreg [dreg:$0x9];
	s16 =	sadd.s32 s6, s13;
	s2 =	sand.u32 $0xFFFFF80, s17  }
0x189: {  	[tilespmem:s14], [sflag:$0x1] =	stream.strided.gather [hbm4b:s16+s12], $0x800, s23, s12, $0x38;
	[tilespmem:$0x10600] =	vst v63  }
0x18a: {  	s19 =	rddreg [dreg:$0xa];
	s2 =	sadd.s32 s1, s2  }
0x18b: {  	[tilespmem:s19], [sflag:$0x1] =	stream.strided.gather [hbm4b:s2+s12], $0x800, s23, s12, $0x38;
	[tilespmem:$0x10600] =	vst v63  }
0x18c: {  	s22 =	rddreg [dreg:$0xb];
	s2 =	sand.u32 $0xFFFFF80, s21  }
0x18d: {  	s0 =	sand.u32 $0xFFFFF80, s15;
	s3 =	spop (v2sf);
	(v2sf) =	vpush v17, $0x8;
	s2 =	sadd.s32 s6, s2  }
0x18e: {  	[tilespmem:s22], [sflag:$0x1] =	stream.strided.gather [hbm4b:s2+s12], $0x800, s23, s12, $0x38;
	[tilespmem:$0x10600] =	vst v63  }
0x18f: {  	s24 =	rddreg [dreg:$0xc];
	s26 =	sand.u32 $0xFFFFF80, s20;
	s0 =	sadd.s32 s1, s0  }
0x190: {  	[tilespmem:s24], [sflag:$0x1] =	stream.strided.gather [hbm4b:s0+s12], $0x800, s23, s12, $0x38;
	[tilespmem:$0x10600] =	vst v63  }
0x191: {  	s25 =	rddreg [dreg:$0xd];
	s2 =	sadd.s32 s6, s26;
	s0 =	sand.u32 $0xFFFFF80, s28  }
0x192: {  	[tilespmem:s25], [sflag:$0x1] =	stream.strided.gather [hbm4b:s2+s12], $0x800, s23, s12, $0x38;
	[tilespmem:$0x10600] =	vst v63  }
0x193: {  	s29 =	rddreg [dreg:$0xe];
	s5 =	spop (v2sf);
	(v2sf) =	vpush v16, $0x8;
	s0 =	sadd.s32 s1, s0  }
0x194: {  	[tilespmem:s29], [sflag:$0x1] =	stream.strided.gather [hbm4b:s0+s12], $0x800, s23, s12, $0x38;
	[tilespmem:$0x10600] =	vst v63  }
0x195: {  	s9 =	spop (v2sf);
	(v2sf) =	vpush v17, $0x9;
	s0 =	sand.u32 $0xFFFFF80, s30  }
0x196: {  	s31 =	rddreg [dreg:$0xf];
	s13 =	spop (v2sf);
	s0 =	sadd.s32 s6, s0  }
0x197: {  	(v2sf) =	vpush v16, $0x9;
	[tilespmem:s31], [sflag:$0x1] =	stream.strided.gather [hbm4b:s0+s12], $0x800, s23, s12, $0x38;
	[tilespmem:$0x10600] =	vst v63  }
0x198: {  	s0 =	sand.u32 $0xFFFFF80, s3  }
0x199: {  	s4 =	rddreg [dreg:$0x10];
	s0 =	sadd.s32 s1, s0  }
0x19a: {  	[tilespmem:s4], [sflag:$0x1] =	stream.strided.gather [hbm4b:s0+s12], $0x800, s23, s12, $0x38;
	[tilespmem:$0x10600] =	vst v63  }
0x19b: {  	s0 =	sand.u32 $0xFFFFF80, s5  }
0x19c: {  	s8 =	rddreg [dreg:$0x11];
	s15 =	spop (v2sf);
	s0 =	sadd.s32 s6, s0  }
0x19d: {  	(v2sf) =	vpush v17, $0xA;
	[tilespmem:s8], [sflag:$0x1] =	stream.strided.gather [hbm4b:s0+s12], $0x800, s23, s12, $0x38;
	[tilespmem:$0x10600] =	vst v63  }
0x19e: {  	s0 =	sand.u32 $0xFFFFF80, s9  }
0x19f: {  	s10 =	rddreg [dreg:$0x12];
	s0 =	sadd.s32 s1, s0  }
0x1a0: {  	[tilespmem:s10], [sflag:$0x1] =	stream.strided.gather [hbm4b:s0+s12], $0x800, s23, s12, $0x38;
	[tilespmem:$0x10600] =	vst v63  }
0x1a1: {  	s0 =	sand.u32 $0xFFFFF80, s13  }
0x1a2: {  	s14 =	rddreg [dreg:$0x13];
	s0 =	sadd.s32 s6, s0;
	s17 =	spop (v2sf);
	(v2sf) =	vpush v16, $0xA  }
0x1a3: {  	[tilespmem:s14], [sflag:$0x1] =	stream.strided.gather [hbm4b:s0+s12], $0x800, s23, s12, $0x38;
	[tilespmem:$0x10600] =	vst v63  }
0x1a4: {  	s20 =	spop (v2sf);
	(v2sf) =	vpush v17, $0xB  }
0x1a5: {  	s0 =	sand.u32 $0xFFFFF80, s15  }
0x1a6: {  	s16 =	rddreg [dreg:$0x14];
	s0 =	sadd.s32 s1, s0;
	s22 =	spop (v2sf);
	(v2sf) =	vpush v16, $0xB  }
0x1a7: {  	[tilespmem:s16], [sflag:$0x1] =	stream.strided.gather [hbm4b:s0+s12], $0x800, s23, s12, $0x38;
	[tilespmem:$0x10600] =	vst v63  }
0x1a8: {  	s0 =	sand.u32 $0xFFFFF80, s17  }
0x1a9: {  	s19 =	rddreg [dreg:$0x15];
	s0 =	sadd.s32 s6, s0  }
0x1aa: {  	[tilespmem:s19], [sflag:$0x1] =	stream.strided.gather [hbm4b:s0+s12], $0x800, s23, s12, $0x38;
	[tilespmem:$0x10600] =	vst v63  }
0x1ab: {  	s0 =	sand.u32 $0xFFFFF80, s20  }
0x1ac: {  	s21 =	rddreg [dreg:$0x16];
	s0 =	sadd.s32 s1, s0;
	s25 =	spop (v2sf);
	(v2sf) =	vpush v17, $0xC  }
0x1ad: {  	[tilespmem:s21], [sflag:$0x1] =	stream.strided.gather [hbm4b:s0+s12], $0x800, s23, s12, $0x38;
	[tilespmem:$0x10600] =	vst v63  }
0x1ae: {  	s0 =	sand.u32 $0xFFFFF80, s22  }
0x1af: {  	s24 =	rddreg [dreg:$0x17];
	s0 =	sadd.s32 s6, s0  }
0x1b0: {  	[tilespmem:s24], [sflag:$0x1] =	stream.strided.gather [hbm4b:s0+s12], $0x800, s23, s12, $0x38;
	[tilespmem:$0x10600] =	vst v63  }
0x1b1: {  	s28 =	spop (v2sf);
	(v2sf) =	vpush v16, $0xC  }
0x1b2: {  	s0 =	sand.u32 $0xFFFFF80, s25  }
0x1b3: {  	s26 =	rddreg [dreg:$0x18];
	s0 =	sadd.s32 s1, s0;
	s30 =	spop (v2sf);
	(v2sf) =	vpush v17, $0xD  }
0x1b4: {  	[tilespmem:s26], [sflag:$0x1] =	stream.strided.gather [hbm4b:s0+s12], $0x800, s23, s12, $0x38;
	[tilespmem:$0x10600] =	vst v63  }
0x1b5: {  	s0 =	sand.u32 $0xFFFFF80, s28;
	s2 =	spop (v2sf);
	(v2sf) =	vpush v16, $0xD  }
0x1b6: {  	s29 =	rddreg [dreg:$0x19];
	s0 =	sadd.s32 s6, s0  }
0x1b7: {  	[tilespmem:s29], [sflag:$0x1] =	stream.strided.gather [hbm4b:s0+s12], $0x800, s23, s12, $0x38;
	[tilespmem:$0x10600] =	vst v63  }
0x1b8: {  	s0 =	sand.u32 $0xFFFFF80, s30  }
0x1b9: {  	s31 =	rddreg [dreg:$0x1a];
	s0 =	sadd.s32 s1, s0  }
0x1ba: {  	[tilespmem:s31], [sflag:$0x1] =	stream.strided.gather [hbm4b:s0+s12], $0x800, s23, s12, $0x38;
	[tilespmem:$0x10600] =	vst v63  }
0x1bb: {  	s4 =	spop (v2sf);
	(v2sf) =	vpush v17, $0xE  }
0x1bc: {  	s0 =	sand.u32 $0xFFFFF80, s2  }
0x1bd: {  	s3 =	rddreg [dreg:$0x1b];
	s0 =	sadd.s32 s6, s0  }
0x1be: {  	[tilespmem:s3], [sflag:$0x1] =	stream.strided.gather [hbm4b:s0+s12], $0x800, s23, s12, $0x38;
	[tilespmem:$0x10600] =	vst v63  }
0x1bf: {  	s0 =	sand.u32 $0xFFFFF80, s4  }
0x1c0: {  	s5 =	rddreg [dreg:$0x1c];
	s0 =	sadd.s32 s1, s0;
	s8 =	spop (v2sf);
	(v2sf) =	vpush v16, $0xE  }
0x1c1: {  	[tilespmem:s5], [sflag:$0x1] =	stream.strided.gather [hbm4b:s0+s12], $0x800, s23, s12, $0x38;
	[tilespmem:$0x10600] =	vst v63  }
0x1c2: {  	s10 =	spop (v2sf);
	(v2sf) =	vpush v17, $0xF  }
0x1c3: {  	s0 =	sand.u32 $0xFFFFF80, s8  }
0x1c4: {  	s9 =	rddreg [dreg:$0x1d];
	s0 =	sadd.s32 s6, s0;
	s14 =	spop (v2sf)  }
0x1c5: {  	(v2sf) =	vpush v16, $0xF;
	[tilespmem:s9], [sflag:$0x1] =	stream.strided.gather [hbm4b:s0+s12], $0x800, s23, s12, $0x38;
	[tilespmem:$0x10600] =	vst v63  }
0x1c6: {  	s0 =	sand.u32 $0xFFFFF80, s10  }
0x1c7: {  	s13 =	rddreg [dreg:$0x1e];
	s0 =	sadd.s32 s1, s0  }
0x1c8: {  	[tilespmem:s13], [sflag:$0x1] =	stream.strided.gather [hbm4b:s0+s12], $0x800, s23, s12, $0x38;
	[tilespmem:$0x10600] =	vst v63  }
0x1c9: {  	s15 =	rddreg [dreg:$0x1f];
	s0 =	sand.u32 $0xFFFFF80, s14  }
0x1ca: {  	s17 =	sld [smem:$0x7FA];
	s0 =	sadd.s32 s6, s0;
	s16 =	spop (v2sf)  }
0x1cb: {  	[tilespmem:s15], [sflag:$0x1] =	stream.strided.gather [hbm4b:s0+s12], $0x800, s23, s12, $0x38;
	[tilespmem:$0x10600] =	vst v63  }
0x1cc: {  	s0 =	sand.u32 $0xFFFFF80, s16  }
0x1cd: {  	s0 =	sadd.s32 s1, s0  }
0x1ce: {  	[tilespmem:s17], [sflag:$0x1] =	stream.strided.gather [hbm4b:s0+s12], $0x800, s23, s12, $0x38;
	[tilespmem:$0x10600] =	vst v63  }
0x1cf: {  	s20 =	sld [smem:$0x7FB];
	s19 =	spop (v2sf)  }
0x1d0: {  	s0 =	sand.u32 $0xFFFFF80, s19  }
0x1d1: {  	s22 =	sld [smem:$0x7FC];
	s21 =	spop (v2sf);
	s0 =	sadd.s32 s6, s0  }
0x1d2: {  	[tilespmem:s20], [sflag:$0x1] =	stream.strided.gather [hbm4b:s0+s12], $0x800, s23, s12, $0x38;
	[tilespmem:$0x10600] =	vst v63  }
0x1d3: {  	s0 =	sand.u32 $0xFFFFF80, s21  }
0x1d4: {  	s25 =	sld [smem:$0x7FD];
	s24 =	spop (v2sf);
	s0 =	sadd.s32 s1, s0  }
0x1d5: {  	[tilespmem:s22], [sflag:$0x1] =	stream.strided.gather [hbm4b:s0+s12], $0x800, s23, s12, $0x38;
	[tilespmem:$0x10600] =	vst v63  }
0x1d6: {  	s0 =	sand.u32 $0xFFFFF80, s24  }
0x1d7: {  	s26 =	simm.s32 $0x1;
	s0 =	sadd.s32 s6, s0  }
0x1d8: {  	[tilespmem:s25], [sflag:$0x1] =	stream.strided.gather [hbm4b:s0+s12], $0x800, s23, s12, $0x38;
	[tilespmem:$0x10600] =	vst v63  }
0x1d9: {  	_ =	swait.ge [sflag:s26], $0x8000  }
0x1da: {  	[sflag:s26] =	ssyncset.done $0x0  }
0x1db: {  	[sflag:s26] =	ssyncadd.s32 $0xFFFF8000  }
0x1dc: {  	_ =	swait.ge [sflag:s26], $0x8000  }
0x1dd: {  	[sflag:s26] =	ssyncset.done $0x0  }
0x1de: {  	[sflag:s26] =	ssyncadd.s32 $0xFFFF8000  }
0x1df: {  	v16 =	vld [tilespmem:s18+$0x200]  }
0x1e0: {  	v17 =	vld [tilespmem:s18+$0x0];
	_ =	sdelay $0x3  }
0x1e1: {  	v16 =	vand.u32 $0x7F, v16  }
0x1e2: {  	v17 =	vand.u32 $0x7F, v17;
	v43 =	vor.u32 v0, v16  }
0x1e3: {  	v44 =	vor.u32 v0, v17  }
0x1e4: {  	v45 =	vor.u32 v1, v17  }
0x1e5: {  	v46 =	vor.u32 v1, v16  }
0x1e6: {  	v47 =	vor.u32 v2, v17  }
0x1e7: {  	v48 =	vor.u32 v2, v16;
	v18 =	vld.idx.msk [tilespmem:v43+s7+$0x0], $0xffff  }
0x1e8: {  	v49 =	vor.u32 v3, v17;
	v19 =	vld.idx.msk [tilespmem:v44+s12+$0x0], $0xffff  }
0x1e9: {  	v50 =	vor.u32 v3, v16;
	v20 =	vld.idx.msk [tilespmem:v45+s12+$0x0], $0xffff  }
0x1ea: {  	v51 =	vor.u32 v4, v17;
	v21 =	vld.idx.msk [tilespmem:v46+s7+$0x0], $0xffff  }
0x1eb: {  	v52 =	vor.u32 v4, v16;
	v22 =	vld.idx.msk [tilespmem:v47+s12+$0x0], $0xffff  }
0x1ec: {  	v53 =	vor.u32 v5, v17;
	v23 =	vld.idx.msk [tilespmem:v48+s7+$0x0], $0xffff  }
0x1ed: {  	v54 =	vor.u32 v5, v16;
	v24 =	vld.idx.msk [tilespmem:v49+s12+$0x0], $0xffff;
	v18 =	vmul.f32 v18, v19  }
0x1ee: {  	v56 =	vor.u32 v6, v16;
	v25 =	vld.idx.msk [tilespmem:v50+s7+$0x0], $0xffff  }
0x1ef: {  	v55 =	vor.u32 v6, v17;
	v26 =	vld.idx.msk [tilespmem:v51+s12+$0x0], $0xffff;
	v20 =	vmul.f32 v21, v20;
	v18 =	vadd.f32 $0.0e+00, v18  }
0x1f0: {  	v58 =	vor.u32 v7, v16;
	v27 =	vld.idx.msk [tilespmem:v52+s7+$0x0], $0xffff  }
0x1f1: {  	v57 =	vor.u32 v7, v17;
	v28 =	vld.idx.msk [tilespmem:v53+s12+$0x0], $0xffff;
	v59 =	vmul.f32 v23, v22;
	v18 =	vadd.f32 v20, v18  }
0x1f2: {  	v62 =	vor.u32 v8, v16;
	v61 =	vld.idx.msk [tilespmem:v54+s7+$0x0], $0xffff  }
0x1f3: {  	v60 =	vor.u32 v8, v17;
	v34 =	vld.idx.msk [tilespmem:v56+s7+$0x0], $0xffff;
	v63 =	vmul.f32 v25, v24;
	v18 =	vadd.f32 v59, v18  }
0x1f4: {  	v35 =	vor.u32 v9, v16;
	v19 =	vld.idx.msk [tilespmem:v55+s12+$0x0], $0xffff  }
0x1f5: {  	v33 =	vor.u32 v9, v17;
	v38 =	vld.idx.msk [tilespmem:v58+s7+$0x0], $0xffff;
	v36 =	vmul.f32 v27, v26;
	v18 =	vadd.f32 v63, v18  }
0x1f6: {  	v39 =	vor.u32 v10, v16;
	v21 =	vld.idx.msk [tilespmem:v57+s12+$0x0], $0xffff  }
0x1f7: {  	v37 =	vor.u32 v10, v17;
	v42 =	vld.idx.msk [tilespmem:v62+s7+$0x0], $0xffff;
	v40 =	vmul.f32 v61, v28;
	v18 =	vadd.f32 v36, v18  }
0x1f8: {  	v41 =	vor.u32 v11, v17;
	v22 =	vld.idx.msk [tilespmem:v60+s12+$0x0], $0xffff  }
0x1f9: {  	v43 =	vor.u32 v11, v16;
	v45 =	vld.idx.msk [tilespmem:v35+s7+$0x0], $0xffff;
	v19 =	vmul.f32 v34, v19;
	v18 =	vadd.f32 v40, v18  }
0x1fa: {  	v46 =	vor.u32 v12, v16;
	v24 =	vld.idx.msk [tilespmem:v33+s12+$0x0], $0xffff  }
0x1fb: {  	v44 =	vor.u32 v12, v17;
	v49 =	vld.idx.msk [tilespmem:v39+s7+$0x0], $0xffff;
	v47 =	vmul.f32 v38, v21;
	v18 =	vadd.f32 v19, v18  }
0x1fc: {  	v50 =	vor.u32 v13, v16;
	v26 =	vld.idx.msk [tilespmem:v37+s12+$0x0], $0xffff  }
0x1fd: {  	v48 =	vor.u32 v13, v17;
	v23 =	vld.idx.msk [tilespmem:v41+s12+$0x0], $0xffff;
	v51 =	vmul.f32 v42, v22;
	v18 =	vadd.f32 v47, v18  }
0x1fe: {  	v54 =	vor.u32 v14, v16;
	v53 =	vld.idx.msk [tilespmem:v43+s7+$0x0], $0xffff  }
0x1ff: {  	v52 =	vor.u32 v14, v17;
	v56 =	vld.idx.msk [tilespmem:v46+s7+$0x0], $0xffff;
	v55 =	vmul.f32 v45, v24;
	v18 =	vadd.f32 v51, v18  }
0x200: {  	v17 =	vor.u32 v15, v17;
	v20 =	vld.idx.msk [tilespmem:v44+s12+$0x0], $0xffff  }
0x201: {  	v16 =	vor.u32 v15, v16;
	v58 =	vld.idx.msk [tilespmem:v50+s7+$0x0], $0xffff;
	v57 =	vmul.f32 v49, v26;
	v18 =	vadd.f32 v55, v18  }
0x202: {  	v21 =	vld.idx.msk [tilespmem:v48+s12+$0x0], $0xffff  }
0x203: {  	v60 =	vld.idx.msk [tilespmem:v54+s7+$0x0], $0xffff;
	v59 =	vmul.f32 v53, v23;
	v18 =	vadd.f32 v57, v18  }
0x204: {  	v22 =	vld.idx.msk [tilespmem:v52+s12+$0x0], $0xffff  }
0x205: {  	v17 =	vld.idx.msk [tilespmem:v17+s12+$0x0], $0xffff;
	v61 =	vmul.f32 v56, v20;
	v18 =	vadd.f32 v59, v18  }
0x206: {  	v16 =	vld.idx.msk [tilespmem:v16+s7+$0x0], $0xffff  }
0x207: {  	v62 =	vmul.f32 v58, v21;
	v18 =	vadd.f32 v61, v18;
	_ =	sdelay $0x1  }
0x208: {  	v63 =	vmul.f32 v60, v22;
	v18 =	vadd.f32 v62, v18;
	_ =	sdelay $0x1  }
0x209: {  	v16 =	vmul.f32 v16, v17;
	v18 =	vadd.f32 v63, v18;
	_ =	sdelay $0x1  }
0x20a: {  	s28 =	sld [smem:$0x7F8];
	v16 =	vadd.f32 v16, v18;
	_ =	sdelay $0x1  }
0x20b: {  	s29 =	simm.s32 $0x10400;
	s2 =	simm.s32 $0x2;
	s1 =	simm.s32 $0x0;
	[tilespmem:s18+$0x10400] =	vst v16  }
0x20c: {  	[hbm4b:s28+s1] =	stream.linear.scatter [tilespmem:s29], [sflag:$0x2], $0x200, $0x38;
	[tilespmem:$0x10600] =	vst v63  }
0x20d: {  	_ =	swait.ge [sflag:s2], $0x200  }
0x20e: {  	s30 =	sld [smem:$0x7F5]  }
0x20f: {  	s31 =	sld [smem:$0x7F9];
	_ =	sdelay $0x1  }
0x210: {  	s3 =	sadd.s32 $0x1, s30  }
0x211: {  	p0 =	sne.s32 s3, s31  }
.Ltmp1:
0x212: {  	_ = 	snop;
	(pc) =	sbr.rel @p0 .LBB2_1-.Ltmp1, $3  }
0x213: {  	_ =	sdelay $0x1  }
0x214: {  	[sflag:s2] =	ssyncset.done $0x0  }
0x215: {  	[sflag:s2] =	ssyncadd.s32 $0xFFFFFE00  }
0x216: {  	_ =	sfence.sel $0x180000  }
0x217: {  	[bflag:$0x0] =	sbarrier.arrive $0xFFFF  }
0x218: {  	_ =	strace $0x90000047  }
0x219: {  	s0 =	stileid.u32;
	[bflag:$0x2] =	sbarrier.arrive $0xFFFF  }
0x21a: {  	p0 =	sne.s32 s0, $0x0;
	s0 =	rddreg [dreg:$0x5]  }
0x21b: {  	s0 =	sadd.s32 @!p0 $0x100000, s0  }
0x21c: {  	[sflag:s0] =	ssyncadd.tile.s32 @!p0 $0x1;
	_ =	shalt  }
.Lfunc_end2:
_tile_overlayer_lowered:
.L_overlay_start_2:
0x21d: {  	(tag) =	ssettag $0x2  }
0x21e: {  	s0 =	rddreg [dreg:$0x0];
	s2 =	stileid.u32  }
0x21f: {  	s1 =	rddreg [dreg:$0x1];
	p0 =	sne.s32 s2, $0x0  }
0x220: {  	s3 =	rddreg [dreg:$0x2];
	[bflag:$0x3] =	sbarrier.arrive $0xFFFF;
	s2 =	simm.s32 @!p0 $0x1C02  }
0x221: {  	[timem:s3], [sflag:s2] =	dma.local @!p0 [hbm:s0], s1  }
0x222: {  	s0 =	simm.s32 @!p0 $0x2  }
0x223: {  	_ =	swait.ge @!p0 [sflag:s0], s1  }
0x224: {  	s1 =	ssub.s32 @!p0 $0x0, s1;
	[sflag:s0] =	ssyncset.done @!p0 $0x0  }
0x225: {  	[sflag:s0] =	ssyncadd.s32 @!p0 s1  }
0x226: {  	[bflag:$0x3] =	sbarrier.arrive $0xFFFF  }
0x227: {  	_ =	shalt  }

</sc_bundles>
